<compile_context>
chip_gen: v7x
topology: tpu7x:2x2x1
jax: 0.10.2.dev20260603
libtpu: 0.0.44.dev20260713+nightly
codegen_flags: <defaults>
</compile_context>

<pallas_src>
import functools

import jax
import jax.numpy as jnp
from jax import lax
from jax.experimental import pallas as pl
from jax.experimental.pallas import tpu as pltpu
from jax.experimental.pallas import tpu_sc as plsc

P = 16
Q = 32
S = 2048
D = 256
TOTAL_Q = P * Q

L = 16
NW = 32
QB = TOTAL_Q // NW


def _costs_body(problems_ref, valid_ref, w_ref, costs_ref):
    c = jnp.dot(problems_ref[...], w_ref[...], preferred_element_type=jnp.float32)
    vf = (valid_ref[...] != 0).astype(jnp.float32)
    costs_ref[...] = c * vf.reshape(P, 1)


HQ = QB // 2


def _sc_reduce_body(costs_hbm, q_hbm, out_hbm, costs_v, q_v0, q_v1, out_v,
                    sem0, sem1):
    wid = lax.axis_index("s") * 2 + lax.axis_index("c")
    qbase = wid * QB
    prob = wid // 2

    cp0 = pltpu.async_copy(q_hbm.at[pl.ds(qbase * S, HQ * S)], q_v0, sem0)
    cp1 = pltpu.async_copy(q_hbm.at[pl.ds((qbase + HQ) * S, HQ * S)], q_v1,
                           sem1)
    pltpu.sync_copy(costs_hbm.at[prob], costs_v)

    zero = jnp.zeros((L,), jnp.float32)

    UNROLL = 4

    def half(q_v):
        def body(c, accs):
            c0 = c * (UNROLL * L)
            cc = [costs_v[pl.ds(c0 + u * L, L)] for u in range(UNROLL)]
            out = []
            for i in range(HQ):
                a = accs[i]
                for u in range(UNROLL):
                    a = a + q_v[pl.ds(i * S + c0 + u * L, L)] * cc[u]
                out.append(a)
            return tuple(out)
        return lax.fori_loop(0, S // (UNROLL * L), body,
                             tuple(zero for _ in range(HQ)))

    cp0.wait()
    accs0 = half(q_v0)
    cp1.wait()
    accs1 = half(q_v1)

    lanes = lax.iota(jnp.int32, L)
    tot = zero
    for i, acc in enumerate(accs0 + accs1):
        tot = jnp.where(lanes == i, jnp.sum(acc), tot)
    out_v[...] = tot
    pltpu.sync_copy(out_v, out_hbm.at[pl.ds(qbase, QB)])


_sc_reduce = functools.partial(
    pl.kernel,
    out_type=jax.ShapeDtypeStruct((TOTAL_Q,), jnp.float32),
    mesh=plsc.VectorSubcoreMesh(core_axis_name="c", subcore_axis_name="s"),
    compiler_params=pltpu.CompilerParams(needs_layout_passes=False),
    scratch_types=[
        pltpu.VMEM((S,), jnp.float32),
        pltpu.VMEM((HQ * S,), jnp.float32),
        pltpu.VMEM((HQ * S,), jnp.float32),
        pltpu.VMEM((L,), jnp.float32),
        pltpu.SemaphoreType.DMA,
        pltpu.SemaphoreType.DMA,
    ],
)(_sc_reduce_body)


def kernel(problems, questions_flat_values, questions_outer_row_splits,
           questions_inner_row_splits, valid, W):
    valid_i8 = valid.view(jnp.int8)
    costs = pl.pallas_call(
        _costs_body,
        out_shape=jax.ShapeDtypeStruct((P, S), jnp.float32),
    )(problems, valid_i8, W)
    return _sc_reduce(costs, questions_flat_values)

# --- scband reference (transcript-rebuilt; emitter-appended) ---
"""Pipeline reference for scband-question-logit-model-56307021251159 (READ-ONLY COPY).

The authoritative reference and input builder live on the scoring server;
editing this copy changes nothing except your own understanding.
"""

import jax, jax.numpy as jnp
import numpy as np

P = 16      # problems
Q = 32      # questions per problem
S = 2048    # symbols per problem
D = 256     # problem feature dim for symbol_cost_model
TOTAL_Q = P * Q


def setup_inputs(seed: int = 0) -> dict:
    key = jax.random.key(seed)
    k1, k2, k3, k4 = jax.random.split(key, 4)
    problems = jax.random.normal(k1, (P, D), dtype=jnp.float32)
    questions_flat_values = jax.random.normal(k2, (TOTAL_Q * S,), dtype=jnp.float32)
    questions_outer_row_splits = jnp.arange(P + 1, dtype=jnp.int32) * Q
    questions_inner_row_splits = jnp.arange(TOTAL_Q + 1, dtype=jnp.int32) * S
    valid = jax.random.randint(k3, (P,), 0, 2) > 0
    # learned parameter of the (simple linear) symbol_cost_model
    W = jax.random.normal(k4, (D, S), dtype=jnp.float32) * 0.02
    return {
        "problems": problems,
        "questions_flat_values": questions_flat_values,
        "questions_outer_row_splits": questions_outer_row_splits,
        "questions_inner_row_splits": questions_inner_row_splits,
        "valid": valid,
        "W": W,
    }


def reference(problems, questions_flat_values, questions_outer_row_splits,
              questions_inner_row_splits, valid, W):
    # symbol_cost_model: problems -> per-symbol costs, ragged [P, (S)]
    costs = problems @ W                      # [P, S]
    costs_flat = costs.reshape(-1)            # symbol_costs.flat_values
    sc_row_splits = jnp.arange(P + 1, dtype=jnp.int32) * S

    q_row_lengths = questions_outer_row_splits[1:] - questions_outer_row_splits[:-1]

    # costs_to_logits: tile each problem's costs across its questions via gather
    starts = jnp.repeat(sc_row_splits[:-1], q_row_lengths, total_repeat_length=TOTAL_Q)  # [TOTAL_Q]
    idx = starts[:, None] + jnp.arange(S, dtype=jnp.int32)[None, :]                      # [TOTAL_Q, S]
    sc_tiled = jnp.take(costs_flat, idx)                                                 # gather

    q_vals = questions_flat_values.reshape(TOTAL_Q, S)
    potentials = q_vals * sc_tiled
    logits_all = jnp.sum(potentials, axis=1)  # [TOTAL_Q] (reduce over symbol axis)

    # costs_decorated_to_logits: keep logits only for valid problems, scatter into full length
    mask = jnp.repeat(valid, q_row_lengths, total_repeat_length=TOTAL_Q)
    indices_all = jnp.arange(TOTAL_Q)
    logits_values = jnp.zeros((TOTAL_Q,), jnp.float32).at[indices_all].add(
        jnp.where(mask, logits_all, 0.0))
    # ragged logits = RaggedTensor.from_row_splits(logits_values, questions_outer_row_splits)
    return logits_values

if __name__ == "__main__":
    import jax
    _d = setup_inputs()
    print(jax.jit(kernel)(*tuple(_d.values())))

</pallas_src>

<mosaic_0001>
#map = affine_map<(d0, d1) -> (0, 0)>
#map1 = affine_map<(d0, d1) -> (0)>
module attributes {stable_mosaic.version = 14 : i64} {
  func.func @_sc_reduce_body(%arg0: i32, %arg1: i32, %arg2: memref<16x2048xf32, #tpu.memory_space<hbm>>, %arg3: memref<1048576xf32, #tpu.memory_space<hbm>>, %arg4: memref<512xf32, #tpu.memory_space<hbm>>, %arg5: memref<2048xf32, #tpu.memory_space<vmem>>, %arg6: memref<16384xf32, #tpu.memory_space<vmem>>, %arg7: memref<16384xf32, #tpu.memory_space<vmem>>, %arg8: memref<16xf32, #tpu.memory_space<vmem>>, %arg9: memref<!tpu.dma_semaphore, #tpu.memory_space<semaphore_mem>>, %arg10: memref<!tpu.dma_semaphore, #tpu.memory_space<semaphore_mem>>) attributes {dimension_semantics = [#tpu.dimension_semantics<core_parallel>, #tpu.dimension_semantics<subcore_parallel>], iteration_bounds = array<i64: 2, 16>, scalar_prefetch = 0 : i64, scratch_operands = 6 : i64, tpu.core_type = #tpu.core_type<sc_vector_subcore>, window_params = [{transform_indices = #map}, {transform_indices = #map1}, {transform_indices = #map1}]} {
    %mul3A = arith.constant 2 : i32
    %mul3A_0 = arith.muli %arg1, %mul3A : i32
    %add3A = arith.addi %mul3A_0, %arg0 : i32
    %mul3A_1 = arith.constant 16 : i32
    %mul3A_2 = arith.muli %add3A, %mul3A_1 : i32
    %jit3A = arith.constant 2 : i32
    %div3A = arith.divsi %add3A, %jit3A : i32
    %sign3A = arith.constant 0 : i32
    %sign3A_3 = arith.cmpi sgt, %add3A, %sign3A : i32
    %sign3A_4 = arith.extui %sign3A_3 : i1 to i32
    %sign3A_5 = arith.constant 0 : i32
    %sign3A_6 = arith.cmpi slt, %add3A, %sign3A_5 : i32
    %sign3A_7 = arith.extui %sign3A_6 : i1 to i32
    %sign3A_8 = arith.subi %sign3A_4, %sign3A_7 : i32
    %sign3A_9 = arith.constant 0 : i32
    %sign3A_10 = arith.cmpi sgt, %jit3A, %sign3A_9 : i32
    %sign3A_11 = arith.extui %sign3A_10 : i1 to i32
    %sign3A_12 = arith.constant 0 : i32
    %sign3A_13 = arith.cmpi slt, %jit3A, %sign3A_12 : i32
    %sign3A_14 = arith.extui %sign3A_13 : i1 to i32
    %sign3A_15 = arith.subi %sign3A_11, %sign3A_14 : i32
    %ne3A = arith.cmpi ne, %sign3A_8, %sign3A_15 : i32
    %rem3A = arith.remsi %add3A, %jit3A : i32
    %ne3A_16 = arith.constant 0 : i32
    %ne3A_17 = arith.cmpi ne, %rem3A, %ne3A_16 : i32
    %and3A = arith.andi %ne3A, %ne3A_17 : i1
    %sub3A = arith.constant 1 : i32
    %sub3A_18 = arith.subi %div3A, %sub3A : i32
    %select_n3A = arith.select %and3A, %sub3A_18, %div3A : i32
    %mul3A_19 = arith.constant 2048 : i32
    %mul3A_20 = arith.muli %mul3A_2, %mul3A_19 : i32
    %dma_start3A = tpu.memref_slice %arg3[%mul3A_20] : memref<1048576xf32, #tpu.memory_space<hbm>> -> memref<16384xf32, #tpu.memory_space<hbm>>
    %dma_start3A_21 = tpu.memref_slice %arg3[%mul3A_20] : memref<1048576xf32, #tpu.memory_space<hbm>> -> memref<16384xf32, #tpu.memory_space<hbm>>
    tpu.enqueue_dma source(%dma_start3A_21 : memref<16384xf32, #tpu.memory_space<hbm>>) target(%arg6 : memref<16384xf32, #tpu.memory_space<vmem>>) target_semaphore(%arg9 : memref<!tpu.dma_semaphore, #tpu.memory_space<semaphore_mem>>)
    %add3A_22 = arith.constant 8 : i32
    %add3A_23 = arith.addi %mul3A_2, %add3A_22 : i32
    %mul3A_24 = arith.constant 2048 : i32
    %mul3A_25 = arith.muli %add3A_23, %mul3A_24 : i32
    %dma_start3A_26 = tpu.memref_slice %arg3[%mul3A_25] : memref<1048576xf32, #tpu.memory_space<hbm>> -> memref<16384xf32, #tpu.memory_space<hbm>>
    %dma_start3A_27 = tpu.memref_slice %arg3[%mul3A_25] : memref<1048576xf32, #tpu.memory_space<hbm>> -> memref<16384xf32, #tpu.memory_space<hbm>>
    tpu.enqueue_dma source(%dma_start3A_27 : memref<16384xf32, #tpu.memory_space<hbm>>) target(%arg7 : memref<16384xf32, #tpu.memory_space<vmem>>) target_semaphore(%arg10 : memref<!tpu.dma_semaphore, #tpu.memory_space<semaphore_mem>>)
    "tpu.region"() ({
      %run_scoped3A = tpu.sem_alloc : memref<!tpu.dma_semaphore, #tpu.memory_space<semaphore_mem>>
      %dma_start3A_186 = arith.constant 0 : i32
      %dma_start3A_187 = tpu.memref_slice %arg2[%select_n3A, %dma_start3A_186] : memref<16x2048xf32, #tpu.memory_space<hbm>> -> memref<1x2048xf32, #tpu.memory_space<hbm>>
      %dma_start3A_188 = tpu.memref_squeeze %dma_start3A_187 : memref<1x2048xf32, #tpu.memory_space<hbm>> -> memref<2048xf32, #tpu.memory_space<hbm>>
      %dma_start3A_189 = arith.constant 0 : i32
      %dma_start3A_190 = tpu.memref_slice %arg2[%select_n3A, %dma_start3A_189] : memref<16x2048xf32, #tpu.memory_space<hbm>> -> memref<1x2048xf32, #tpu.memory_space<hbm>>
      %dma_start3A_191 = tpu.memref_squeeze %dma_start3A_190 : memref<1x2048xf32, #tpu.memory_space<hbm>> -> memref<2048xf32, #tpu.memory_space<hbm>>
      tpu.enqueue_dma source(%dma_start3A_191 : memref<2048xf32, #tpu.memory_space<hbm>>) target(%arg5 : memref<2048xf32, #tpu.memory_space<vmem>>) target_semaphore(%run_scoped3A : memref<!tpu.dma_semaphore, #tpu.memory_space<semaphore_mem>>)
      %dma_wait3A_192 = arith.constant 0 : i32
      %dma_wait3A_193 = tpu.memref_slice %arg2[%select_n3A, %dma_wait3A_192] : memref<16x2048xf32, #tpu.memory_space<hbm>> -> memref<1x2048xf32, #tpu.memory_space<hbm>>
      %dma_wait3A_194 = tpu.memref_squeeze %dma_wait3A_193 : memref<1x2048xf32, #tpu.memory_space<hbm>> -> memref<2048xf32, #tpu.memory_space<hbm>>
      %dma_wait3A_195 = arith.constant 0 : i32
      %dma_wait3A_196 = tpu.memref_slice %arg2[%select_n3A, %dma_wait3A_195] : memref<16x2048xf32, #tpu.memory_space<hbm>> -> memref<1x2048xf32, #tpu.memory_space<hbm>>
      %dma_wait3A_197 = tpu.memref_squeeze %dma_wait3A_196 : memref<1x2048xf32, #tpu.memory_space<hbm>> -> memref<2048xf32, #tpu.memory_space<hbm>>
      tpu.wait_dma2 semaphore(%run_scoped3A : memref<!tpu.dma_semaphore, #tpu.memory_space<semaphore_mem>>) src(%dma_wait3A_197 : memref<2048xf32, #tpu.memory_space<hbm>>) dst(%arg5 : memref<2048xf32, #tpu.memory_space<vmem>>)
      tpu.yield
    }) : () -> ()
    %broadcast_in_dim3A = arith.constant 0.000000e+00 : f32
    %broadcast_in_dim3A_28 = vector.broadcast %broadcast_in_dim3A : f32 to vector<16xf32>
    %dma_wait3A = tpu.memref_slice %arg3[%mul3A_20] : memref<1048576xf32, #tpu.memory_space<hbm>> -> memref<16384xf32, #tpu.memory_space<hbm>>
    %dma_wait3A_29 = tpu.memref_slice %arg3[%mul3A_20] : memref<1048576xf32, #tpu.memory_space<hbm>> -> memref<16384xf32, #tpu.memory_space<hbm>>
    tpu.wait_dma2 semaphore(%arg9 : memref<!tpu.dma_semaphore, #tpu.memory_space<semaphore_mem>>) src(%dma_wait3A_29 : memref<16384xf32, #tpu.memory_space<hbm>>) dst(%arg6 : memref<16384xf32, #tpu.memory_space<vmem>>)
    %scan3A = arith.constant 0 : i32
    %scan3A_30 = arith.constant 32 : i32
    %scan3A_31 = arith.addi %scan3A, %scan3A_30 : i32
    %scan3A_32 = arith.constant 1 : i32
    %scan3A_33:8 = scf.for %scan3A_186 = %scan3A to %scan3A_31 step %scan3A_32 iter_args(%scan3A_187 = %broadcast_in_dim3A_28, %scan3A_188 = %broadcast_in_dim3A_28, %scan3A_189 = %broadcast_in_dim3A_28, %scan3A_190 = %broadcast_in_dim3A_28, %scan3A_191 = %broadcast_in_dim3A_28, %scan3A_192 = %broadcast_in_dim3A_28, %scan3A_193 = %broadcast_in_dim3A_28, %scan3A_194 = %broadcast_in_dim3A_28) -> (vector<16xf32>, vector<16xf32>, vector<16xf32>, vector<16xf32>, vector<16xf32>, vector<16xf32>, vector<16xf32>, vector<16xf32>)  : i32 {
      %mul3A_195 = arith.constant 64 : i32
      %mul3A_196 = arith.muli %scan3A_186, %mul3A_195 : i32
      %add3A_197 = arith.constant 0 : i32
      %add3A_198 = arith.addi %mul3A_196, %add3A_197 : i32
      %get3A = arith.index_cast %add3A_198 : i32 to index
      %get3A_199 = tpu.vector_load %arg5[%get3A] {strides = array<i32>} : memref<2048xf32, #tpu.memory_space<vmem>>, vector<16xf32>,
      %add3A_200 = arith.constant 16 : i32
      %add3A_201 = arith.addi %mul3A_196, %add3A_200 : i32
      %get3A_202 = arith.index_cast %add3A_201 : i32 to index
      %get3A_203 = tpu.vector_load %arg5[%get3A_202] {strides = array<i32>} : memref<2048xf32, #tpu.memory_space<vmem>>, vector<16xf32>,
      %add3A_204 = arith.constant 32 : i32
      %add3A_205 = arith.addi %mul3A_196, %add3A_204 : i32
      %get3A_206 = arith.index_cast %add3A_205 : i32 to index
      %get3A_207 = tpu.vector_load %arg5[%get3A_206] {strides = array<i32>} : memref<2048xf32, #tpu.memory_space<vmem>>, vector<16xf32>,
      %add3A_208 = arith.constant 48 : i32
      %add3A_209 = arith.addi %mul3A_196, %add3A_208 : i32
      %get3A_210 = arith.index_cast %add3A_209 : i32 to index
      %get3A_211 = tpu.vector_load %arg5[%get3A_210] {strides = array<i32>} : memref<2048xf32, #tpu.memory_space<vmem>>, vector<16xf32>,
      %add3A_212 = arith.constant 0 : i32
      %add3A_213 = arith.addi %add3A_212, %mul3A_196 : i32
      %add3A_214 = arith.constant 0 : i32
      %add3A_215 = arith.addi %add3A_213, %add3A_214 : i32
      %get3A_216 = arith.index_cast %add3A_215 : i32 to index
      %get3A_217 = tpu.vector_load %arg6[%get3A_216] {strides = array<i32>} : memref<16384xf32, #tpu.memory_space<vmem>>, vector<16xf32>,
      %mul3A_218 = arith.mulf %get3A_217, %get3A_199 : vector<16xf32>
      %add3A_219 = arith.addf %scan3A_187, %mul3A_218 : vector<16xf32>
      %add3A_220 = arith.constant 0 : i32
      %add3A_221 = arith.addi %add3A_220, %mul3A_196 : i32
      %add3A_222 = arith.constant 16 : i32
      %add3A_223 = arith.addi %add3A_221, %add3A_222 : i32
      %get3A_224 = arith.index_cast %add3A_223 : i32 to index
      %get3A_225 = tpu.vector_load %arg6[%get3A_224] {strides = array<i32>} : memref<16384xf32, #tpu.memory_space<vmem>>, vector<16xf32>,
      %mul3A_226 = arith.mulf %get3A_225, %get3A_203 : vector<16xf32>
      %add3A_227 = arith.addf %add3A_219, %mul3A_226 : vector<16xf32>
      %add3A_228 = arith.constant 0 : i32
      %add3A_229 = arith.addi %add3A_228, %mul3A_196 : i32
      %add3A_230 = arith.constant 32 : i32
      %add3A_231 = arith.addi %add3A_229, %add3A_230 : i32
      %get3A_232 = arith.index_cast %add3A_231 : i32 to index
      %get3A_233 = tpu.vector_load %arg6[%get3A_232] {strides = array<i32>} : memref<16384xf32, #tpu.memory_space<vmem>>, vector<16xf32>,
      %mul3A_234 = arith.mulf %get3A_233, %get3A_207 : vector<16xf32>
      %add3A_235 = arith.addf %add3A_227, %mul3A_234 : vector<16xf32>
      %add3A_236 = arith.constant 0 : i32
      %add3A_237 = arith.addi %add3A_236, %mul3A_196 : i32
      %add3A_238 = arith.constant 48 : i32
      %add3A_239 = arith.addi %add3A_237, %add3A_238 : i32
      %get3A_240 = arith.index_cast %add3A_239 : i32 to index
      %get3A_241 = tpu.vector_load %arg6[%get3A_240] {strides = array<i32>} : memref<16384xf32, #tpu.memory_space<vmem>>, vector<16xf32>,
      %mul3A_242 = arith.mulf %get3A_241, %get3A_211 : vector<16xf32>
      %add3A_243 = arith.addf %add3A_235, %mul3A_242 : vector<16xf32>
      %add3A_244 = arith.constant 2048 : i32
      %add3A_245 = arith.addi %add3A_244, %mul3A_196 : i32
      %add3A_246 = arith.constant 0 : i32
      %add3A_247 = arith.addi %add3A_245, %add3A_246 : i32
      %get3A_248 = arith.index_cast %add3A_247 : i32 to index
      %get3A_249 = tpu.vector_load %arg6[%get3A_248] {strides = array<i32>} : memref<16384xf32, #tpu.memory_space<vmem>>, vector<16xf32>,
      %mul3A_250 = arith.mulf %get3A_249, %get3A_199 : vector<16xf32>
      %add3A_251 = arith.addf %scan3A_188, %mul3A_250 : vector<16xf32>
      %add3A_252 = arith.constant 2048 : i32
      %add3A_253 = arith.addi %add3A_252, %mul3A_196 : i32
      %add3A_254 = arith.constant 16 : i32
      %add3A_255 = arith.addi %add3A_253, %add3A_254 : i32
      %get3A_256 = arith.index_cast %add3A_255 : i32 to index
      %get3A_257 = tpu.vector_load %arg6[%get3A_256] {strides = array<i32>} : memref<16384xf32, #tpu.memory_space<vmem>>, vector<16xf32>,
      %mul3A_258 = arith.mulf %get3A_257, %get3A_203 : vector<16xf32>
      %add3A_259 = arith.addf %add3A_251, %mul3A_258 : vector<16xf32>
      %add3A_260 = arith.constant 2048 : i32
      %add3A_261 = arith.addi %add3A_260, %mul3A_196 : i32
      %add3A_262 = arith.constant 32 : i32
      %add3A_263 = arith.addi %add3A_261, %add3A_262 : i32
      %get3A_264 = arith.index_cast %add3A_263 : i32 to index
      %get3A_265 = tpu.vector_load %arg6[%get3A_264] {strides = array<i32>} : memref<16384xf32, #tpu.memory_space<vmem>>, vector<16xf32>,
      %mul3A_266 = arith.mulf %get3A_265, %get3A_207 : vector<16xf32>
      %add3A_267 = arith.addf %add3A_259, %mul3A_266 : vector<16xf32>
      %add3A_268 = arith.constant 2048 : i32
      %add3A_269 = arith.addi %add3A_268, %mul3A_196 : i32
      %add3A_270 = arith.constant 48 : i32
      %add3A_271 = arith.addi %add3A_269, %add3A_270 : i32
      %get3A_272 = arith.index_cast %add3A_271 : i32 to index
      %get3A_273 = tpu.vector_load %arg6[%get3A_272] {strides = array<i32>} : memref<16384xf32, #tpu.memory_space<vmem>>, vector<16xf32>,
      %mul3A_274 = arith.mulf %get3A_273, %get3A_211 : vector<16xf32>
      %add3A_275 = arith.addf %add3A_267, %mul3A_274 : vector<16xf32>
      %add3A_276 = arith.constant 4096 : i32
      %add3A_277 = arith.addi %add3A_276, %mul3A_196 : i32
      %add3A_278 = arith.constant 0 : i32
      %add3A_279 = arith.addi %add3A_277, %add3A_278 : i32
      %get3A_280 = arith.index_cast %add3A_279 : i32 to index
      %get3A_281 = tpu.vector_load %arg6[%get3A_280] {strides = array<i32>} : memref<16384xf32, #tpu.memory_space<vmem>>, vector<16xf32>,
      %mul3A_282 = arith.mulf %get3A_281, %get3A_199 : vector<16xf32>
      %add3A_283 = arith.addf %scan3A_189, %mul3A_282 : vector<16xf32>
      %add3A_284 = arith.constant 4096 : i32
      %add3A_285 = arith.addi %add3A_284, %mul3A_196 : i32
      %add3A_286 = arith.constant 16 : i32
      %add3A_287 = arith.addi %add3A_285, %add3A_286 : i32
      %get3A_288 = arith.index_cast %add3A_287 : i32 to index
      %get3A_289 = tpu.vector_load %arg6[%get3A_288] {strides = array<i32>} : memref<16384xf32, #tpu.memory_space<vmem>>, vector<16xf32>,
      %mul3A_290 = arith.mulf %get3A_289, %get3A_203 : vector<16xf32>
      %add3A_291 = arith.addf %add3A_283, %mul3A_290 : vector<16xf32>
      %add3A_292 = arith.constant 4096 : i32
      %add3A_293 = arith.addi %add3A_292, %mul3A_196 : i32
      %add3A_294 = arith.constant 32 : i32
      %add3A_295 = arith.addi %add3A_293, %add3A_294 : i32
      %get3A_296 = arith.index_cast %add3A_295 : i32 to index
      %get3A_297 = tpu.vector_load %arg6[%get3A_296] {strides = array<i32>} : memref<16384xf32, #tpu.memory_space<vmem>>, vector<16xf32>,
      %mul3A_298 = arith.mulf %get3A_297, %get3A_207 : vector<16xf32>
      %add3A_299 = arith.addf %add3A_291, %mul3A_298 : vector<16xf32>
      %add3A_300 = arith.constant 4096 : i32
      %add3A_301 = arith.addi %add3A_300, %mul3A_196 : i32
      %add3A_302 = arith.constant 48 : i32
      %add3A_303 = arith.addi %add3A_301, %add3A_302 : i32
      %get3A_304 = arith.index_cast %add3A_303 : i32 to index
      %get3A_305 = tpu.vector_load %arg6[%get3A_304] {strides = array<i32>} : memref<16384xf32, #tpu.memory_space<vmem>>, vector<16xf32>,
      %mul3A_306 = arith.mulf %get3A_305, %get3A_211 : vector<16xf32>
      %add3A_307 = arith.addf %add3A_299, %mul3A_306 : vector<16xf32>
      %add3A_308 = arith.constant 6144 : i32
      %add3A_309 = arith.addi %add3A_308, %mul3A_196 : i32
      %add3A_310 = arith.constant 0 : i32
      %add3A_311 = arith.addi %add3A_309, %add3A_310 : i32
      %get3A_312 = arith.index_cast %add3A_311 : i32 to index
      %get3A_313 = tpu.vector_load %arg6[%get3A_312] {strides = array<i32>} : memref<16384xf32, #tpu.memory_space<vmem>>, vector<16xf32>,
      %mul3A_314 = arith.mulf %get3A_313, %get3A_199 : vector<16xf32>
      %add3A_315 = arith.addf %scan3A_190, %mul3A_314 : vector<16xf32>
      %add3A_316 = arith.constant 6144 : i32
      %add3A_317 = arith.addi %add3A_316, %mul3A_196 : i32
      %add3A_318 = arith.constant 16 : i32
      %add3A_319 = arith.addi %add3A_317, %add3A_318 : i32
      %get3A_320 = arith.index_cast %add3A_319 : i32 to index
      %get3A_321 = tpu.vector_load %arg6[%get3A_320] {strides = array<i32>} : memref<16384xf32, #tpu.memory_space<vmem>>, vector<16xf32>,
      %mul3A_322 = arith.mulf %get3A_321, %get3A_203 : vector<16xf32>
      %add3A_323 = arith.addf %add3A_315, %mul3A_322 : vector<16xf32>
      %add3A_324 = arith.constant 6144 : i32
      %add3A_325 = arith.addi %add3A_324, %mul3A_196 : i32
      %add3A_326 = arith.constant 32 : i32
      %add3A_327 = arith.addi %add3A_325, %add3A_326 : i32
      %get3A_328 = arith.index_cast %add3A_327 : i32 to index
      %get3A_329 = tpu.vector_load %arg6[%get3A_328] {strides = array<i32>} : memref<16384xf32, #tpu.memory_space<vmem>>, vector<16xf32>,
      %mul3A_330 = arith.mulf %get3A_329, %get3A_207 : vector<16xf32>
      %add3A_331 = arith.addf %add3A_323, %mul3A_330 : vector<16xf32>
      %add3A_332 = arith.constant 6144 : i32
      %add3A_333 = arith.addi %add3A_332, %mul3A_196 : i32
      %add3A_334 = arith.constant 48 : i32
      %add3A_335 = arith.addi %add3A_333, %add3A_334 : i32
      %get3A_336 = arith.index_cast %add3A_335 : i32 to index
      %get3A_337 = tpu.vector_load %arg6[%get3A_336] {strides = array<i32>} : memref<16384xf32, #tpu.memory_space<vmem>>, vector<16xf32>,
      %mul3A_338 = arith.mulf %get3A_337, %get3A_211 : vector<16xf32>
      %add3A_339 = arith.addf %add3A_331, %mul3A_338 : vector<16xf32>
      %add3A_340 = arith.constant 8192 : i32
      %add3A_341 = arith.addi %add3A_340, %mul3A_196 : i32
      %add3A_342 = arith.constant 0 : i32
      %add3A_343 = arith.addi %add3A_341, %add3A_342 : i32
      %get3A_344 = arith.index_cast %add3A_343 : i32 to index
      %get3A_345 = tpu.vector_load %arg6[%get3A_344] {strides = array<i32>} : memref<16384xf32, #tpu.memory_space<vmem>>, vector<16xf32>,
      %mul3A_346 = arith.mulf %get3A_345, %get3A_199 : vector<16xf32>
      %add3A_347 = arith.addf %scan3A_191, %mul3A_346 : vector<16xf32>
      %add3A_348 = arith.constant 8192 : i32
      %add3A_349 = arith.addi %add3A_348, %mul3A_196 : i32
      %add3A_350 = arith.constant 16 : i32
      %add3A_351 = arith.addi %add3A_349, %add3A_350 : i32
      %get3A_352 = arith.index_cast %add3A_351 : i32 to index
      %get3A_353 = tpu.vector_load %arg6[%get3A_352] {strides = array<i32>} : memref<16384xf32, #tpu.memory_space<vmem>>, vector<16xf32>,
      %mul3A_354 = arith.mulf %get3A_353, %get3A_203 : vector<16xf32>
      %add3A_355 = arith.addf %add3A_347, %mul3A_354 : vector<16xf32>
      %add3A_356 = arith.constant 8192 : i32
      %add3A_357 = arith.addi %add3A_356, %mul3A_196 : i32
      %add3A_358 = arith.constant 32 : i32
      %add3A_359 = arith.addi %add3A_357, %add3A_358 : i32
      %get3A_360 = arith.index_cast %add3A_359 : i32 to index
      %get3A_361 = tpu.vector_load %arg6[%get3A_360] {strides = array<i32>} : memref<16384xf32, #tpu.memory_space<vmem>>, vector<16xf32>,
      %mul3A_362 = arith.mulf %get3A_361, %get3A_207 : vector<16xf32>
      %add3A_363 = arith.addf %add3A_355, %mul3A_362 : vector<16xf32>
      %add3A_364 = arith.constant 8192 : i32
      %add3A_365 = arith.addi %add3A_364, %mul3A_196 : i32
      %add3A_366 = arith.constant 48 : i32
      %add3A_367 = arith.addi %add3A_365, %add3A_366 : i32
      %get3A_368 = arith.index_cast %add3A_367 : i32 to index
      %get3A_369 = tpu.vector_load %arg6[%get3A_368] {strides = array<i32>} : memref<16384xf32, #tpu.memory_space<vmem>>, vector<16xf32>,
      %mul3A_370 = arith.mulf %get3A_369, %get3A_211 : vector<16xf32>
      %add3A_371 = arith.addf %add3A_363, %mul3A_370 : vector<16xf32>
      %add3A_372 = arith.constant 10240 : i32
      %add3A_373 = arith.addi %add3A_372, %mul3A_196 : i32
      %add3A_374 = arith.constant 0 : i32
      %add3A_375 = arith.addi %add3A_373, %add3A_374 : i32
      %get3A_376 = arith.index_cast %add3A_375 : i32 to index
      %get3A_377 = tpu.vector_load %arg6[%get3A_376] {strides = array<i32>} : memref<16384xf32, #tpu.memory_space<vmem>>, vector<16xf32>,
      %mul3A_378 = arith.mulf %get3A_377, %get3A_199 : vector<16xf32>
      %add3A_379 = arith.addf %scan3A_192, %mul3A_378 : vector<16xf32>
      %add3A_380 = arith.constant 10240 : i32
      %add3A_381 = arith.addi %add3A_380, %mul3A_196 : i32
      %add3A_382 = arith.constant 16 : i32
      %add3A_383 = arith.addi %add3A_381, %add3A_382 : i32
      %get3A_384 = arith.index_cast %add3A_383 : i32 to index
      %get3A_385 = tpu.vector_load %arg6[%get3A_384] {strides = array<i32>} : memref<16384xf32, #tpu.memory_space<vmem>>, vector<16xf32>,
      %mul3A_386 = arith.mulf %get3A_385, %get3A_203 : vector<16xf32>
      %add3A_387 = arith.addf %add3A_379, %mul3A_386 : vector<16xf32>
      %add3A_388 = arith.constant 10240 : i32
      %add3A_389 = arith.addi %add3A_388, %mul3A_196 : i32
      %add3A_390 = arith.constant 32 : i32
      %add3A_391 = arith.addi %add3A_389, %add3A_390 : i32
      %get3A_392 = arith.index_cast %add3A_391 : i32 to index
      %get3A_393 = tpu.vector_load %arg6[%get3A_392] {strides = array<i32>} : memref<16384xf32, #tpu.memory_space<vmem>>, vector<16xf32>,
      %mul3A_394 = arith.mulf %get3A_393, %get3A_207 : vector<16xf32>
      %add3A_395 = arith.addf %add3A_387, %mul3A_394 : vector<16xf32>
      %add3A_396 = arith.constant 10240 : i32
      %add3A_397 = arith.addi %add3A_396, %mul3A_196 : i32
      %add3A_398 = arith.constant 48 : i32
      %add3A_399 = arith.addi %add3A_397, %add3A_398 : i32
      %get3A_400 = arith.index_cast %add3A_399 : i32 to index
      %get3A_401 = tpu.vector_load %arg6[%get3A_400] {strides = array<i32>} : memref<16384xf32, #tpu.memory_space<vmem>>, vector<16xf32>,
      %mul3A_402 = arith.mulf %get3A_401, %get3A_211 : vector<16xf32>
      %add3A_403 = arith.addf %add3A_395, %mul3A_402 : vector<16xf32>
      %add3A_404 = arith.constant 12288 : i32
      %add3A_405 = arith.addi %add3A_404, %mul3A_196 : i32
      %add3A_406 = arith.constant 0 : i32
      %add3A_407 = arith.addi %add3A_405, %add3A_406 : i32
      %get3A_408 = arith.index_cast %add3A_407 : i32 to index
      %get3A_409 = tpu.vector_load %arg6[%get3A_408] {strides = array<i32>} : memref<16384xf32, #tpu.memory_space<vmem>>, vector<16xf32>,
      %mul3A_410 = arith.mulf %get3A_409, %get3A_199 : vector<16xf32>
      %add3A_411 = arith.addf %scan3A_193, %mul3A_410 : vector<16xf32>
      %add3A_412 = arith.constant 12288 : i32
      %add3A_413 = arith.addi %add3A_412, %mul3A_196 : i32
      %add3A_414 = arith.constant 16 : i32
      %add3A_415 = arith.addi %add3A_413, %add3A_414 : i32
      %get3A_416 = arith.index_cast %add3A_415 : i32 to index
      %get3A_417 = tpu.vector_load %arg6[%get3A_416] {strides = array<i32>} : memref<16384xf32, #tpu.memory_space<vmem>>, vector<16xf32>,
      %mul3A_418 = arith.mulf %get3A_417, %get3A_203 : vector<16xf32>
      %add3A_419 = arith.addf %add3A_411, %mul3A_418 : vector<16xf32>
      %add3A_420 = arith.constant 12288 : i32
      %add3A_421 = arith.addi %add3A_420, %mul3A_196 : i32
      %add3A_422 = arith.constant 32 : i32
      %add3A_423 = arith.addi %add3A_421, %add3A_422 : i32
      %get3A_424 = arith.index_cast %add3A_423 : i32 to index
      %get3A_425 = tpu.vector_load %arg6[%get3A_424] {strides = array<i32>} : memref<16384xf32, #tpu.memory_space<vmem>>, vector<16xf32>,
      %mul3A_426 = arith.mulf %get3A_425, %get3A_207 : vector<16xf32>
      %add3A_427 = arith.addf %add3A_419, %mul3A_426 : vector<16xf32>
      %add3A_428 = arith.constant 12288 : i32
      %add3A_429 = arith.addi %add3A_428, %mul3A_196 : i32
      %add3A_430 = arith.constant 48 : i32
      %add3A_431 = arith.addi %add3A_429, %add3A_430 : i32
      %get3A_432 = arith.index_cast %add3A_431 : i32 to index
      %get3A_433 = tpu.vector_load %arg6[%get3A_432] {strides = array<i32>} : memref<16384xf32, #tpu.memory_space<vmem>>, vector<16xf32>,
      %mul3A_434 = arith.mulf %get3A_433, %get3A_211 : vector<16xf32>
      %add3A_435 = arith.addf %add3A_427, %mul3A_434 : vector<16xf32>
      %add3A_436 = arith.constant 14336 : i32
      %add3A_437 = arith.addi %add3A_436, %mul3A_196 : i32
      %add3A_438 = arith.constant 0 : i32
      %add3A_439 = arith.addi %add3A_437, %add3A_438 : i32
      %get3A_440 = arith.index_cast %add3A_439 : i32 to index
      %get3A_441 = tpu.vector_load %arg6[%get3A_440] {strides = array<i32>} : memref<16384xf32, #tpu.memory_space<vmem>>, vector<16xf32>,
      %mul3A_442 = arith.mulf %get3A_441, %get3A_199 : vector<16xf32>
      %add3A_443 = arith.addf %scan3A_194, %mul3A_442 : vector<16xf32>
      %add3A_444 = arith.constant 14336 : i32
      %add3A_445 = arith.addi %add3A_444, %mul3A_196 : i32
      %add3A_446 = arith.constant 16 : i32
      %add3A_447 = arith.addi %add3A_445, %add3A_446 : i32
      %get3A_448 = arith.index_cast %add3A_447 : i32 to index
      %get3A_449 = tpu.vector_load %arg6[%get3A_448] {strides = array<i32>} : memref<16384xf32, #tpu.memory_space<vmem>>, vector<16xf32>,
      %mul3A_450 = arith.mulf %get3A_449, %get3A_203 : vector<16xf32>
      %add3A_451 = arith.addf %add3A_443, %mul3A_450 : vector<16xf32>
      %add3A_452 = arith.constant 14336 : i32
      %add3A_453 = arith.addi %add3A_452, %mul3A_196 : i32
      %add3A_454 = arith.constant 32 : i32
      %add3A_455 = arith.addi %add3A_453, %add3A_454 : i32
      %get3A_456 = arith.index_cast %add3A_455 : i32 to index
      %get3A_457 = tpu.vector_load %arg6[%get3A_456] {strides = array<i32>} : memref<16384xf32, #tpu.memory_space<vmem>>, vector<16xf32>,
      %mul3A_458 = arith.mulf %get3A_457, %get3A_207 : vector<16xf32>
      %add3A_459 = arith.addf %add3A_451, %mul3A_458 : vector<16xf32>
      %add3A_460 = arith.constant 14336 : i32
      %add3A_461 = arith.addi %add3A_460, %mul3A_196 : i32
      %add3A_462 = arith.constant 48 : i32
      %add3A_463 = arith.addi %add3A_461, %add3A_462 : i32
      %get3A_464 = arith.index_cast %add3A_463 : i32 to index
      %get3A_465 = tpu.vector_load %arg6[%get3A_464] {strides = array<i32>} : memref<16384xf32, #tpu.memory_space<vmem>>, vector<16xf32>,
      %mul3A_466 = arith.mulf %get3A_465, %get3A_211 : vector<16xf32>
      %add3A_467 = arith.addf %add3A_459, %mul3A_466 : vector<16xf32>
      scf.yield %add3A_243, %add3A_275, %add3A_307, %add3A_339, %add3A_371, %add3A_403, %add3A_435, %add3A_467 : vector<16xf32>, vector<16xf32>, vector<16xf32>, vector<16xf32>, vector<16xf32>, vector<16xf32>, vector<16xf32>, vector<16xf32>
    }
    %scan3A_34 = arith.constant 32 : i32
    %dma_wait3A_35 = tpu.memref_slice %arg3[%mul3A_25] : memref<1048576xf32, #tpu.memory_space<hbm>> -> memref<16384xf32, #tpu.memory_space<hbm>>
    %dma_wait3A_36 = tpu.memref_slice %arg3[%mul3A_25] : memref<1048576xf32, #tpu.memory_space<hbm>> -> memref<16384xf32, #tpu.memory_space<hbm>>
    tpu.wait_dma2 semaphore(%arg10 : memref<!tpu.dma_semaphore, #tpu.memory_space<semaphore_mem>>) src(%dma_wait3A_36 : memref<16384xf32, #tpu.memory_space<hbm>>) dst(%arg7 : memref<16384xf32, #tpu.memory_space<vmem>>)
    %scan3A_37 = arith.constant 0 : i32
    %scan3A_38 = arith.constant 32 : i32
    %scan3A_39 = arith.addi %scan3A_37, %scan3A_38 : i32
    %scan3A_40 = arith.constant 1 : i32
    %scan3A_41:8 = scf.for %scan3A_186 = %scan3A_37 to %scan3A_39 step %scan3A_40 iter_args(%scan3A_187 = %broadcast_in_dim3A_28, %scan3A_188 = %broadcast_in_dim3A_28, %scan3A_189 = %broadcast_in_dim3A_28, %scan3A_190 = %broadcast_in_dim3A_28, %scan3A_191 = %broadcast_in_dim3A_28, %scan3A_192 = %broadcast_in_dim3A_28, %scan3A_193 = %broadcast_in_dim3A_28, %scan3A_194 = %broadcast_in_dim3A_28) -> (vector<16xf32>, vector<16xf32>, vector<16xf32>, vector<16xf32>, vector<16xf32>, vector<16xf32>, vector<16xf32>, vector<16xf32>)  : i32 {
      %mul3A_195 = arith.constant 64 : i32
      %mul3A_196 = arith.muli %scan3A_186, %mul3A_195 : i32
      %add3A_197 = arith.constant 0 : i32
      %add3A_198 = arith.addi %mul3A_196, %add3A_197 : i32
      %get3A = arith.index_cast %add3A_198 : i32 to index
      %get3A_199 = tpu.vector_load %arg5[%get3A] {strides = array<i32>} : memref<2048xf32, #tpu.memory_space<vmem>>, vector<16xf32>,
      %add3A_200 = arith.constant 16 : i32
      %add3A_201 = arith.addi %mul3A_196, %add3A_200 : i32
      %get3A_202 = arith.index_cast %add3A_201 : i32 to index
      %get3A_203 = tpu.vector_load %arg5[%get3A_202] {strides = array<i32>} : memref<2048xf32, #tpu.memory_space<vmem>>, vector<16xf32>,
      %add3A_204 = arith.constant 32 : i32
      %add3A_205 = arith.addi %mul3A_196, %add3A_204 : i32
      %get3A_206 = arith.index_cast %add3A_205 : i32 to index
      %get3A_207 = tpu.vector_load %arg5[%get3A_206] {strides = array<i32>} : memref<2048xf32, #tpu.memory_space<vmem>>, vector<16xf32>,
      %add3A_208 = arith.constant 48 : i32
      %add3A_209 = arith.addi %mul3A_196, %add3A_208 : i32
      %get3A_210 = arith.index_cast %add3A_209 : i32 to index
      %get3A_211 = tpu.vector_load %arg5[%get3A_210] {strides = array<i32>} : memref<2048xf32, #tpu.memory_space<vmem>>, vector<16xf32>,
      %add3A_212 = arith.constant 0 : i32
      %add3A_213 = arith.addi %add3A_212, %mul3A_196 : i32
      %add3A_214 = arith.constant 0 : i32
      %add3A_215 = arith.addi %add3A_213, %add3A_214 : i32
      %get3A_216 = arith.index_cast %add3A_215 : i32 to index
      %get3A_217 = tpu.vector_load %arg7[%get3A_216] {strides = array<i32>} : memref<16384xf32, #tpu.memory_space<vmem>>, vector<16xf32>,
      %mul3A_218 = arith.mulf %get3A_217, %get3A_199 : vector<16xf32>
      %add3A_219 = arith.addf %scan3A_187, %mul3A_218 : vector<16xf32>
      %add3A_220 = arith.constant 0 : i32
      %add3A_221 = arith.addi %add3A_220, %mul3A_196 : i32
      %add3A_222 = arith.constant 16 : i32
      %add3A_223 = arith.addi %add3A_221, %add3A_222 : i32
      %get3A_224 = arith.index_cast %add3A_223 : i32 to index
      %get3A_225 = tpu.vector_load %arg7[%get3A_224] {strides = array<i32>} : memref<16384xf32, #tpu.memory_space<vmem>>, vector<16xf32>,
      %mul3A_226 = arith.mulf %get3A_225, %get3A_203 : vector<16xf32>
      %add3A_227 = arith.addf %add3A_219, %mul3A_226 : vector<16xf32>
      %add3A_228 = arith.constant 0 : i32
      %add3A_229 = arith.addi %add3A_228, %mul3A_196 : i32
      %add3A_230 = arith.constant 32 : i32
      %add3A_231 = arith.addi %add3A_229, %add3A_230 : i32
      %get3A_232 = arith.index_cast %add3A_231 : i32 to index
      %get3A_233 = tpu.vector_load %arg7[%get3A_232] {strides = array<i32>} : memref<16384xf32, #tpu.memory_space<vmem>>, vector<16xf32>,
      %mul3A_234 = arith.mulf %get3A_233, %get3A_207 : vector<16xf32>
      %add3A_235 = arith.addf %add3A_227, %mul3A_234 : vector<16xf32>
      %add3A_236 = arith.constant 0 : i32
      %add3A_237 = arith.addi %add3A_236, %mul3A_196 : i32
      %add3A_238 = arith.constant 48 : i32
      %add3A_239 = arith.addi %add3A_237, %add3A_238 : i32
      %get3A_240 = arith.index_cast %add3A_239 : i32 to index
      %get3A_241 = tpu.vector_load %arg7[%get3A_240] {strides = array<i32>} : memref<16384xf32, #tpu.memory_space<vmem>>, vector<16xf32>,
      %mul3A_242 = arith.mulf %get3A_241, %get3A_211 : vector<16xf32>
      %add3A_243 = arith.addf %add3A_235, %mul3A_242 : vector<16xf32>
      %add3A_244 = arith.constant 2048 : i32
      %add3A_245 = arith.addi %add3A_244, %mul3A_196 : i32
      %add3A_246 = arith.constant 0 : i32
      %add3A_247 = arith.addi %add3A_245, %add3A_246 : i32
      %get3A_248 = arith.index_cast %add3A_247 : i32 to index
      %get3A_249 = tpu.vector_load %arg7[%get3A_248] {strides = array<i32>} : memref<16384xf32, #tpu.memory_space<vmem>>, vector<16xf32>,
      %mul3A_250 = arith.mulf %get3A_249, %get3A_199 : vector<16xf32>
      %add3A_251 = arith.addf %scan3A_188, %mul3A_250 : vector<16xf32>
      %add3A_252 = arith.constant 2048 : i32
      %add3A_253 = arith.addi %add3A_252, %mul3A_196 : i32
      %add3A_254 = arith.constant 16 : i32
      %add3A_255 = arith.addi %add3A_253, %add3A_254 : i32
      %get3A_256 = arith.index_cast %add3A_255 : i32 to index
      %get3A_257 = tpu.vector_load %arg7[%get3A_256] {strides = array<i32>} : memref<16384xf32, #tpu.memory_space<vmem>>, vector<16xf32>,
      %mul3A_258 = arith.mulf %get3A_257, %get3A_203 : vector<16xf32>
      %add3A_259 = arith.addf %add3A_251, %mul3A_258 : vector<16xf32>
      %add3A_260 = arith.constant 2048 : i32
      %add3A_261 = arith.addi %add3A_260, %mul3A_196 : i32
      %add3A_262 = arith.constant 32 : i32
      %add3A_263 = arith.addi %add3A_261, %add3A_262 : i32
      %get3A_264 = arith.index_cast %add3A_263 : i32 to index
      %get3A_265 = tpu.vector_load %arg7[%get3A_264] {strides = array<i32>} : memref<16384xf32, #tpu.memory_space<vmem>>, vector<16xf32>,
      %mul3A_266 = arith.mulf %get3A_265, %get3A_207 : vector<16xf32>
      %add3A_267 = arith.addf %add3A_259, %mul3A_266 : vector<16xf32>
      %add3A_268 = arith.constant 2048 : i32
      %add3A_269 = arith.addi %add3A_268, %mul3A_196 : i32
      %add3A_270 = arith.constant 48 : i32
      %add3A_271 = arith.addi %add3A_269, %add3A_270 : i32
      %get3A_272 = arith.index_cast %add3A_271 : i32 to index
      %get3A_273 = tpu.vector_load %arg7[%get3A_272] {strides = array<i32>} : memref<16384xf32, #tpu.memory_space<vmem>>, vector<16xf32>,
      %mul3A_274 = arith.mulf %get3A_273, %get3A_211 : vector<16xf32>
      %add3A_275 = arith.addf %add3A_267, %mul3A_274 : vector<16xf32>
      %add3A_276 = arith.constant 4096 : i32
      %add3A_277 = arith.addi %add3A_276, %mul3A_196 : i32
      %add3A_278 = arith.constant 0 : i32
      %add3A_279 = arith.addi %add3A_277, %add3A_278 : i32
      %get3A_280 = arith.index_cast %add3A_279 : i32 to index
      %get3A_281 = tpu.vector_load %arg7[%get3A_280] {strides = array<i32>} : memref<16384xf32, #tpu.memory_space<vmem>>, vector<16xf32>,
      %mul3A_282 = arith.mulf %get3A_281, %get3A_199 : vector<16xf32>
      %add3A_283 = arith.addf %scan3A_189, %mul3A_282 : vector<16xf32>
      %add3A_284 = arith.constant 4096 : i32
      %add3A_285 = arith.addi %add3A_284, %mul3A_196 : i32
      %add3A_286 = arith.constant 16 : i32
      %add3A_287 = arith.addi %add3A_285, %add3A_286 : i32
      %get3A_288 = arith.index_cast %add3A_287 : i32 to index
      %get3A_289 = tpu.vector_load %arg7[%get3A_288] {strides = array<i32>} : memref<16384xf32, #tpu.memory_space<vmem>>, vector<16xf32>,
      %mul3A_290 = arith.mulf %get3A_289, %get3A_203 : vector<16xf32>
      %add3A_291 = arith.addf %add3A_283, %mul3A_290 : vector<16xf32>
      %add3A_292 = arith.constant 4096 : i32
      %add3A_293 = arith.addi %add3A_292, %mul3A_196 : i32
      %add3A_294 = arith.constant 32 : i32
      %add3A_295 = arith.addi %add3A_293, %add3A_294 : i32
      %get3A_296 = arith.index_cast %add3A_295 : i32 to index
      %get3A_297 = tpu.vector_load %arg7[%get3A_296] {strides = array<i32>} : memref<16384xf32, #tpu.memory_space<vmem>>, vector<16xf32>,
      %mul3A_298 = arith.mulf %get3A_297, %get3A_207 : vector<16xf32>
      %add3A_299 = arith.addf %add3A_291, %mul3A_298 : vector<16xf32>
      %add3A_300 = arith.constant 4096 : i32
      %add3A_301 = arith.addi %add3A_300, %mul3A_196 : i32
      %add3A_302 = arith.constant 48 : i32
      %add3A_303 = arith.addi %add3A_301, %add3A_302 : i32
      %get3A_304 = arith.index_cast %add3A_303 : i32 to index
      %get3A_305 = tpu.vector_load %arg7[%get3A_304] {strides = array<i32>} : memref<16384xf32, #tpu.memory_space<vmem>>, vector<16xf32>,
      %mul3A_306 = arith.mulf %get3A_305, %get3A_211 : vector<16xf32>
      %add3A_307 = arith.addf %add3A_299, %mul3A_306 : vector<16xf32>
      %add3A_308 = arith.constant 6144 : i32
      %add3A_309 = arith.addi %add3A_308, %mul3A_196 : i32
      %add3A_310 = arith.constant 0 : i32
      %add3A_311 = arith.addi %add3A_309, %add3A_310 : i32
      %get3A_312 = arith.index_cast %add3A_311 : i32 to index
      %get3A_313 = tpu.vector_load %arg7[%get3A_312] {strides = array<i32>} : memref<16384xf32, #tpu.memory_space<vmem>>, vector<16xf32>,
      %mul3A_314 = arith.mulf %get3A_313, %get3A_199 : vector<16xf32>
      %add3A_315 = arith.addf %scan3A_190, %mul3A_314 : vector<16xf32>
      %add3A_316 = arith.constant 6144 : i32
      %add3A_317 = arith.addi %add3A_316, %mul3A_196 : i32
      %add3A_318 = arith.constant 16 : i32
      %add3A_319 = arith.addi %add3A_317, %add3A_318 : i32
      %get3A_320 = arith.index_cast %add3A_319 : i32 to index
      %get3A_321 = tpu.vector_load %arg7[%get3A_320] {strides = array<i32>} : memref<16384xf32, #tpu.memory_space<vmem>>, vector<16xf32>,
      %mul3A_322 = arith.mulf %get3A_321, %get3A_203 : vector<16xf32>
      %add3A_323 = arith.addf %add3A_315, %mul3A_322 : vector<16xf32>
      %add3A_324 = arith.constant 6144 : i32
      %add3A_325 = arith.addi %add3A_324, %mul3A_196 : i32
      %add3A_326 = arith.constant 32 : i32
      %add3A_327 = arith.addi %add3A_325, %add3A_326 : i32
      %get3A_328 = arith.index_cast %add3A_327 : i32 to index
      %get3A_329 = tpu.vector_load %arg7[%get3A_328] {strides = array<i32>} : memref<16384xf32, #tpu.memory_space<vmem>>, vector<16xf32>,
      %mul3A_330 = arith.mulf %get3A_329, %get3A_207 : vector<16xf32>
      %add3A_331 = arith.addf %add3A_323, %mul3A_330 : vector<16xf32>
      %add3A_332 = arith.constant 6144 : i32
      %add3A_333 = arith.addi %add3A_332, %mul3A_196 : i32
      %add3A_334 = arith.constant 48 : i32
      %add3A_335 = arith.addi %add3A_333, %add3A_334 : i32
      %get3A_336 = arith.index_cast %add3A_335 : i32 to index
      %get3A_337 = tpu.vector_load %arg7[%get3A_336] {strides = array<i32>} : memref<16384xf32, #tpu.memory_space<vmem>>, vector<16xf32>,
      %mul3A_338 = arith.mulf %get3A_337, %get3A_211 : vector<16xf32>
      %add3A_339 = arith.addf %add3A_331, %mul3A_338 : vector<16xf32>
      %add3A_340 = arith.constant 8192 : i32
      %add3A_341 = arith.addi %add3A_340, %mul3A_196 : i32
      %add3A_342 = arith.constant 0 : i32
      %add3A_343 = arith.addi %add3A_341, %add3A_342 : i32
      %get3A_344 = arith.index_cast %add3A_343 : i32 to index
      %get3A_345 = tpu.vector_load %arg7[%get3A_344] {strides = array<i32>} : memref<16384xf32, #tpu.memory_space<vmem>>, vector<16xf32>,
      %mul3A_346 = arith.mulf %get3A_345, %get3A_199 : vector<16xf32>
      %add3A_347 = arith.addf %scan3A_191, %mul3A_346 : vector<16xf32>
      %add3A_348 = arith.constant 8192 : i32
      %add3A_349 = arith.addi %add3A_348, %mul3A_196 : i32
      %add3A_350 = arith.constant 16 : i32
      %add3A_351 = arith.addi %add3A_349, %add3A_350 : i32
      %get3A_352 = arith.index_cast %add3A_351 : i32 to index
      %get3A_353 = tpu.vector_load %arg7[%get3A_352] {strides = array<i32>} : memref<16384xf32, #tpu.memory_space<vmem>>, vector<16xf32>,
      %mul3A_354 = arith.mulf %get3A_353, %get3A_203 : vector<16xf32>
      %add3A_355 = arith.addf %add3A_347, %mul3A_354 : vector<16xf32>
      %add3A_356 = arith.constant 8192 : i32
      %add3A_357 = arith.addi %add3A_356, %mul3A_196 : i32
      %add3A_358 = arith.constant 32 : i32
      %add3A_359 = arith.addi %add3A_357, %add3A_358 : i32
      %get3A_360 = arith.index_cast %add3A_359 : i32 to index
      %get3A_361 = tpu.vector_load %arg7[%get3A_360] {strides = array<i32>} : memref<16384xf32, #tpu.memory_space<vmem>>, vector<16xf32>,
      %mul3A_362 = arith.mulf %get3A_361, %get3A_207 : vector<16xf32>
      %add3A_363 = arith.addf %add3A_355, %mul3A_362 : vector<16xf32>
      %add3A_364 = arith.constant 8192 : i32
      %add3A_365 = arith.addi %add3A_364, %mul3A_196 : i32
      %add3A_366 = arith.constant 48 : i32
      %add3A_367 = arith.addi %add3A_365, %add3A_366 : i32
      %get3A_368 = arith.index_cast %add3A_367 : i32 to index
      %get3A_369 = tpu.vector_load %arg7[%get3A_368] {strides = array<i32>} : memref<16384xf32, #tpu.memory_space<vmem>>, vector<16xf32>,
      %mul3A_370 = arith.mulf %get3A_369, %get3A_211 : vector<16xf32>
      %add3A_371 = arith.addf %add3A_363, %mul3A_370 : vector<16xf32>
      %add3A_372 = arith.constant 10240 : i32
      %add3A_373 = arith.addi %add3A_372, %mul3A_196 : i32
      %add3A_374 = arith.constant 0 : i32
      %add3A_375 = arith.addi %add3A_373, %add3A_374 : i32
      %get3A_376 = arith.index_cast %add3A_375 : i32 to index
      %get3A_377 = tpu.vector_load %arg7[%get3A_376] {strides = array<i32>} : memref<16384xf32, #tpu.memory_space<vmem>>, vector<16xf32>,
      %mul3A_378 = arith.mulf %get3A_377, %get3A_199 : vector<16xf32>
      %add3A_379 = arith.addf %scan3A_192, %mul3A_378 : vector<16xf32>
      %add3A_380 = arith.constant 10240 : i32
      %add3A_381 = arith.addi %add3A_380, %mul3A_196 : i32
      %add3A_382 = arith.constant 16 : i32
      %add3A_383 = arith.addi %add3A_381, %add3A_382 : i32
      %get3A_384 = arith.index_cast %add3A_383 : i32 to index
      %get3A_385 = tpu.vector_load %arg7[%get3A_384] {strides = array<i32>} : memref<16384xf32, #tpu.memory_space<vmem>>, vector<16xf32>,
      %mul3A_386 = arith.mulf %get3A_385, %get3A_203 : vector<16xf32>
      %add3A_387 = arith.addf %add3A_379, %mul3A_386 : vector<16xf32>
      %add3A_388 = arith.constant 10240 : i32
      %add3A_389 = arith.addi %add3A_388, %mul3A_196 : i32
      %add3A_390 = arith.constant 32 : i32
      %add3A_391 = arith.addi %add3A_389, %add3A_390 : i32
      %get3A_392 = arith.index_cast %add3A_391 : i32 to index
      %get3A_393 = tpu.vector_load %arg7[%get3A_392] {strides = array<i32>} : memref<16384xf32, #tpu.memory_space<vmem>>, vector<16xf32>,
      %mul3A_394 = arith.mulf %get3A_393, %get3A_207 : vector<16xf32>
      %add3A_395 = arith.addf %add3A_387, %mul3A_394 : vector<16xf32>
      %add3A_396 = arith.constant 10240 : i32
      %add3A_397 = arith.addi %add3A_396, %mul3A_196 : i32
      %add3A_398 = arith.constant 48 : i32
      %add3A_399 = arith.addi %add3A_397, %add3A_398 : i32
      %get3A_400 = arith.index_cast %add3A_399 : i32 to index
      %get3A_401 = tpu.vector_load %arg7[%get3A_400] {strides = array<i32>} : memref<16384xf32, #tpu.memory_space<vmem>>, vector<16xf32>,
      %mul3A_402 = arith.mulf %get3A_401, %get3A_211 : vector<16xf32>
      %add3A_403 = arith.addf %add3A_395, %mul3A_402 : vector<16xf32>
      %add3A_404 = arith.constant 12288 : i32
      %add3A_405 = arith.addi %add3A_404, %mul3A_196 : i32
      %add3A_406 = arith.constant 0 : i32
      %add3A_407 = arith.addi %add3A_405, %add3A_406 : i32
      %get3A_408 = arith.index_cast %add3A_407 : i32 to index
      %get3A_409 = tpu.vector_load %arg7[%get3A_408] {strides = array<i32>} : memref<16384xf32, #tpu.memory_space<vmem>>, vector<16xf32>,
      %mul3A_410 = arith.mulf %get3A_409, %get3A_199 : vector<16xf32>
      %add3A_411 = arith.addf %scan3A_193, %mul3A_410 : vector<16xf32>
      %add3A_412 = arith.constant 12288 : i32
      %add3A_413 = arith.addi %add3A_412, %mul3A_196 : i32
      %add3A_414 = arith.constant 16 : i32
      %add3A_415 = arith.addi %add3A_413, %add3A_414 : i32
      %get3A_416 = arith.index_cast %add3A_415 : i32 to index
      %get3A_417 = tpu.vector_load %arg7[%get3A_416] {strides = array<i32>} : memref<16384xf32, #tpu.memory_space<vmem>>, vector<16xf32>,
      %mul3A_418 = arith.mulf %get3A_417, %get3A_203 : vector<16xf32>
      %add3A_419 = arith.addf %add3A_411, %mul3A_418 : vector<16xf32>
      %add3A_420 = arith.constant 12288 : i32
      %add3A_421 = arith.addi %add3A_420, %mul3A_196 : i32
      %add3A_422 = arith.constant 32 : i32
      %add3A_423 = arith.addi %add3A_421, %add3A_422 : i32
      %get3A_424 = arith.index_cast %add3A_423 : i32 to index
      %get3A_425 = tpu.vector_load %arg7[%get3A_424] {strides = array<i32>} : memref<16384xf32, #tpu.memory_space<vmem>>, vector<16xf32>,
      %mul3A_426 = arith.mulf %get3A_425, %get3A_207 : vector<16xf32>
      %add3A_427 = arith.addf %add3A_419, %mul3A_426 : vector<16xf32>
      %add3A_428 = arith.constant 12288 : i32
      %add3A_429 = arith.addi %add3A_428, %mul3A_196 : i32
      %add3A_430 = arith.constant 48 : i32
      %add3A_431 = arith.addi %add3A_429, %add3A_430 : i32
      %get3A_432 = arith.index_cast %add3A_431 : i32 to index
      %get3A_433 = tpu.vector_load %arg7[%get3A_432] {strides = array<i32>} : memref<16384xf32, #tpu.memory_space<vmem>>, vector<16xf32>,
      %mul3A_434 = arith.mulf %get3A_433, %get3A_211 : vector<16xf32>
      %add3A_435 = arith.addf %add3A_427, %mul3A_434 : vector<16xf32>
      %add3A_436 = arith.constant 14336 : i32
      %add3A_437 = arith.addi %add3A_436, %mul3A_196 : i32
      %add3A_438 = arith.constant 0 : i32
      %add3A_439 = arith.addi %add3A_437, %add3A_438 : i32
      %get3A_440 = arith.index_cast %add3A_439 : i32 to index
      %get3A_441 = tpu.vector_load %arg7[%get3A_440] {strides = array<i32>} : memref<16384xf32, #tpu.memory_space<vmem>>, vector<16xf32>,
      %mul3A_442 = arith.mulf %get3A_441, %get3A_199 : vector<16xf32>
      %add3A_443 = arith.addf %scan3A_194, %mul3A_442 : vector<16xf32>
      %add3A_444 = arith.constant 14336 : i32
      %add3A_445 = arith.addi %add3A_444, %mul3A_196 : i32
      %add3A_446 = arith.constant 16 : i32
      %add3A_447 = arith.addi %add3A_445, %add3A_446 : i32
      %get3A_448 = arith.index_cast %add3A_447 : i32 to index
      %get3A_449 = tpu.vector_load %arg7[%get3A_448] {strides = array<i32>} : memref<16384xf32, #tpu.memory_space<vmem>>, vector<16xf32>,
      %mul3A_450 = arith.mulf %get3A_449, %get3A_203 : vector<16xf32>
      %add3A_451 = arith.addf %add3A_443, %mul3A_450 : vector<16xf32>
      %add3A_452 = arith.constant 14336 : i32
      %add3A_453 = arith.addi %add3A_452, %mul3A_196 : i32
      %add3A_454 = arith.constant 32 : i32
      %add3A_455 = arith.addi %add3A_453, %add3A_454 : i32
      %get3A_456 = arith.index_cast %add3A_455 : i32 to index
      %get3A_457 = tpu.vector_load %arg7[%get3A_456] {strides = array<i32>} : memref<16384xf32, #tpu.memory_space<vmem>>, vector<16xf32>,
      %mul3A_458 = arith.mulf %get3A_457, %get3A_207 : vector<16xf32>
      %add3A_459 = arith.addf %add3A_451, %mul3A_458 : vector<16xf32>
      %add3A_460 = arith.constant 14336 : i32
      %add3A_461 = arith.addi %add3A_460, %mul3A_196 : i32
      %add3A_462 = arith.constant 48 : i32
      %add3A_463 = arith.addi %add3A_461, %add3A_462 : i32
      %get3A_464 = arith.index_cast %add3A_463 : i32 to index
      %get3A_465 = tpu.vector_load %arg7[%get3A_464] {strides = array<i32>} : memref<16384xf32, #tpu.memory_space<vmem>>, vector<16xf32>,
      %mul3A_466 = arith.mulf %get3A_465, %get3A_211 : vector<16xf32>
      %add3A_467 = arith.addf %add3A_459, %mul3A_466 : vector<16xf32>
      scf.yield %add3A_243, %add3A_275, %add3A_307, %add3A_339, %add3A_371, %add3A_403, %add3A_435, %add3A_467 : vector<16xf32>, vector<16xf32>, vector<16xf32>, vector<16xf32>, vector<16xf32>, vector<16xf32>, vector<16xf32>, vector<16xf32>
    }
    %scan3A_42 = arith.constant 32 : i32
    %iota3A = tpu.iota {dimensions = array<i32: 0>} : vector<16xi32>
    %eq3A = arith.constant 0 : i32
    %eq3A_43 = vector.broadcast %eq3A : i32 to vector<16xi32>
    %eq3A_44 = arith.cmpi eq, %iota3A, %eq3A_43 : vector<16xi32>
    %reduce_sum3A = arith.constant true
    %reduce_sum3A_45 = vector.broadcast %reduce_sum3A : i1 to vector<16xi1>
    %reduce_sum3A_46 = tpu.scan <sum>, %scan3A_33#0 masked %reduce_sum3A_45 : vector<16xf32>, vector<16xi1> -> vector<16xf32>
    %reduce_sum3A_47 = vector.extract %reduce_sum3A_46[15] : f32 from vector<16xf32>
    %broadcast_in_dim3A_48 = vector.broadcast %reduce_sum3A_47 : f32 to vector<16xf32>
    %select_n3A_49 = arith.select %eq3A_44, %broadcast_in_dim3A_48, %broadcast_in_dim3A_28 : vector<16xi1>, vector<16xf32>
    %eq3A_50 = arith.constant 1 : i32
    %eq3A_51 = vector.broadcast %eq3A_50 : i32 to vector<16xi32>
    %eq3A_52 = arith.cmpi eq, %iota3A, %eq3A_51 : vector<16xi32>
    %reduce_sum3A_53 = arith.constant true
    %reduce_sum3A_54 = vector.broadcast %reduce_sum3A_53 : i1 to vector<16xi1>
    %reduce_sum3A_55 = tpu.scan <sum>, %scan3A_33#1 masked %reduce_sum3A_54 : vector<16xf32>, vector<16xi1> -> vector<16xf32>
    %reduce_sum3A_56 = vector.extract %reduce_sum3A_55[15] : f32 from vector<16xf32>
    %broadcast_in_dim3A_57 = vector.broadcast %reduce_sum3A_56 : f32 to vector<16xf32>
    %select_n3A_58 = arith.select %eq3A_52, %broadcast_in_dim3A_57, %select_n3A_49 : vector<16xi1>, vector<16xf32>
    %eq3A_59 = arith.constant 2 : i32
    %eq3A_60 = vector.broadcast %eq3A_59 : i32 to vector<16xi32>
    %eq3A_61 = arith.cmpi eq, %iota3A, %eq3A_60 : vector<16xi32>
    %reduce_sum3A_62 = arith.constant true
    %reduce_sum3A_63 = vector.broadcast %reduce_sum3A_62 : i1 to vector<16xi1>
    %reduce_sum3A_64 = tpu.scan <sum>, %scan3A_33#2 masked %reduce_sum3A_63 : vector<16xf32>, vector<16xi1> -> vector<16xf32>
    %reduce_sum3A_65 = vector.extract %reduce_sum3A_64[15] : f32 from vector<16xf32>
    %broadcast_in_dim3A_66 = vector.broadcast %reduce_sum3A_65 : f32 to vector<16xf32>
    %select_n3A_67 = arith.select %eq3A_61, %broadcast_in_dim3A_66, %select_n3A_58 : vector<16xi1>, vector<16xf32>
    %eq3A_68 = arith.constant 3 : i32
    %eq3A_69 = vector.broadcast %eq3A_68 : i32 to vector<16xi32>
    %eq3A_70 = arith.cmpi eq, %iota3A, %eq3A_69 : vector<16xi32>
    %reduce_sum3A_71 = arith.constant true
    %reduce_sum3A_72 = vector.broadcast %reduce_sum3A_71 : i1 to vector<16xi1>
    %reduce_sum3A_73 = tpu.scan <sum>, %scan3A_33#3 masked %reduce_sum3A_72 : vector<16xf32>, vector<16xi1> -> vector<16xf32>
    %reduce_sum3A_74 = vector.extract %reduce_sum3A_73[15] : f32 from vector<16xf32>
    %broadcast_in_dim3A_75 = vector.broadcast %reduce_sum3A_74 : f32 to vector<16xf32>
    %select_n3A_76 = arith.select %eq3A_70, %broadcast_in_dim3A_75, %select_n3A_67 : vector<16xi1>, vector<16xf32>
    %eq3A_77 = arith.constant 4 : i32
    %eq3A_78 = vector.broadcast %eq3A_77 : i32 to vector<16xi32>
    %eq3A_79 = arith.cmpi eq, %iota3A, %eq3A_78 : vector<16xi32>
    %reduce_sum3A_80 = arith.constant true
    %reduce_sum3A_81 = vector.broadcast %reduce_sum3A_80 : i1 to vector<16xi1>
    %reduce_sum3A_82 = tpu.scan <sum>, %scan3A_33#4 masked %reduce_sum3A_81 : vector<16xf32>, vector<16xi1> -> vector<16xf32>
    %reduce_sum3A_83 = vector.extract %reduce_sum3A_82[15] : f32 from vector<16xf32>
    %broadcast_in_dim3A_84 = vector.broadcast %reduce_sum3A_83 : f32 to vector<16xf32>
    %select_n3A_85 = arith.select %eq3A_79, %broadcast_in_dim3A_84, %select_n3A_76 : vector<16xi1>, vector<16xf32>
    %eq3A_86 = arith.constant 5 : i32
    %eq3A_87 = vector.broadcast %eq3A_86 : i32 to vector<16xi32>
    %eq3A_88 = arith.cmpi eq, %iota3A, %eq3A_87 : vector<16xi32>
    %reduce_sum3A_89 = arith.constant true
    %reduce_sum3A_90 = vector.broadcast %reduce_sum3A_89 : i1 to vector<16xi1>
    %reduce_sum3A_91 = tpu.scan <sum>, %scan3A_33#5 masked %reduce_sum3A_90 : vector<16xf32>, vector<16xi1> -> vector<16xf32>
    %reduce_sum3A_92 = vector.extract %reduce_sum3A_91[15] : f32 from vector<16xf32>
    %broadcast_in_dim3A_93 = vector.broadcast %reduce_sum3A_92 : f32 to vector<16xf32>
    %select_n3A_94 = arith.select %eq3A_88, %broadcast_in_dim3A_93, %select_n3A_85 : vector<16xi1>, vector<16xf32>
    %eq3A_95 = arith.constant 6 : i32
    %eq3A_96 = vector.broadcast %eq3A_95 : i32 to vector<16xi32>
    %eq3A_97 = arith.cmpi eq, %iota3A, %eq3A_96 : vector<16xi32>
    %reduce_sum3A_98 = arith.constant true
    %reduce_sum3A_99 = vector.broadcast %reduce_sum3A_98 : i1 to vector<16xi1>
    %reduce_sum3A_100 = tpu.scan <sum>, %scan3A_33#6 masked %reduce_sum3A_99 : vector<16xf32>, vector<16xi1> -> vector<16xf32>
    %reduce_sum3A_101 = vector.extract %reduce_sum3A_100[15] : f32 from vector<16xf32>
    %broadcast_in_dim3A_102 = vector.broadcast %reduce_sum3A_101 : f32 to vector<16xf32>
    %select_n3A_103 = arith.select %eq3A_97, %broadcast_in_dim3A_102, %select_n3A_94 : vector<16xi1>, vector<16xf32>
    %eq3A_104 = arith.constant 7 : i32
    %eq3A_105 = vector.broadcast %eq3A_104 : i32 to vector<16xi32>
    %eq3A_106 = arith.cmpi eq, %iota3A, %eq3A_105 : vector<16xi32>
    %reduce_sum3A_107 = arith.constant true
    %reduce_sum3A_108 = vector.broadcast %reduce_sum3A_107 : i1 to vector<16xi1>
    %reduce_sum3A_109 = tpu.scan <sum>, %scan3A_33#7 masked %reduce_sum3A_108 : vector<16xf32>, vector<16xi1> -> vector<16xf32>
    %reduce_sum3A_110 = vector.extract %reduce_sum3A_109[15] : f32 from vector<16xf32>
    %broadcast_in_dim3A_111 = vector.broadcast %reduce_sum3A_110 : f32 to vector<16xf32>
    %select_n3A_112 = arith.select %eq3A_106, %broadcast_in_dim3A_111, %select_n3A_103 : vector<16xi1>, vector<16xf32>
    %eq3A_113 = arith.constant 8 : i32
    %eq3A_114 = vector.broadcast %eq3A_113 : i32 to vector<16xi32>
    %eq3A_115 = arith.cmpi eq, %iota3A, %eq3A_114 : vector<16xi32>
    %reduce_sum3A_116 = arith.constant true
    %reduce_sum3A_117 = vector.broadcast %reduce_sum3A_116 : i1 to vector<16xi1>
    %reduce_sum3A_118 = tpu.scan <sum>, %scan3A_41#0 masked %reduce_sum3A_117 : vector<16xf32>, vector<16xi1> -> vector<16xf32>
    %reduce_sum3A_119 = vector.extract %reduce_sum3A_118[15] : f32 from vector<16xf32>
    %broadcast_in_dim3A_120 = vector.broadcast %reduce_sum3A_119 : f32 to vector<16xf32>
    %select_n3A_121 = arith.select %eq3A_115, %broadcast_in_dim3A_120, %select_n3A_112 : vector<16xi1>, vector<16xf32>
    %eq3A_122 = arith.constant 9 : i32
    %eq3A_123 = vector.broadcast %eq3A_122 : i32 to vector<16xi32>
    %eq3A_124 = arith.cmpi eq, %iota3A, %eq3A_123 : vector<16xi32>
    %reduce_sum3A_125 = arith.constant true
    %reduce_sum3A_126 = vector.broadcast %reduce_sum3A_125 : i1 to vector<16xi1>
    %reduce_sum3A_127 = tpu.scan <sum>, %scan3A_41#1 masked %reduce_sum3A_126 : vector<16xf32>, vector<16xi1> -> vector<16xf32>
    %reduce_sum3A_128 = vector.extract %reduce_sum3A_127[15] : f32 from vector<16xf32>
    %broadcast_in_dim3A_129 = vector.broadcast %reduce_sum3A_128 : f32 to vector<16xf32>
    %select_n3A_130 = arith.select %eq3A_124, %broadcast_in_dim3A_129, %select_n3A_121 : vector<16xi1>, vector<16xf32>
    %eq3A_131 = arith.constant 10 : i32
    %eq3A_132 = vector.broadcast %eq3A_131 : i32 to vector<16xi32>
    %eq3A_133 = arith.cmpi eq, %iota3A, %eq3A_132 : vector<16xi32>
    %reduce_sum3A_134 = arith.constant true
    %reduce_sum3A_135 = vector.broadcast %reduce_sum3A_134 : i1 to vector<16xi1>
    %reduce_sum3A_136 = tpu.scan <sum>, %scan3A_41#2 masked %reduce_sum3A_135 : vector<16xf32>, vector<16xi1> -> vector<16xf32>
    %reduce_sum3A_137 = vector.extract %reduce_sum3A_136[15] : f32 from vector<16xf32>
    %broadcast_in_dim3A_138 = vector.broadcast %reduce_sum3A_137 : f32 to vector<16xf32>
    %select_n3A_139 = arith.select %eq3A_133, %broadcast_in_dim3A_138, %select_n3A_130 : vector<16xi1>, vector<16xf32>
    %eq3A_140 = arith.constant 11 : i32
    %eq3A_141 = vector.broadcast %eq3A_140 : i32 to vector<16xi32>
    %eq3A_142 = arith.cmpi eq, %iota3A, %eq3A_141 : vector<16xi32>
    %reduce_sum3A_143 = arith.constant true
    %reduce_sum3A_144 = vector.broadcast %reduce_sum3A_143 : i1 to vector<16xi1>
    %reduce_sum3A_145 = tpu.scan <sum>, %scan3A_41#3 masked %reduce_sum3A_144 : vector<16xf32>, vector<16xi1> -> vector<16xf32>
    %reduce_sum3A_146 = vector.extract %reduce_sum3A_145[15] : f32 from vector<16xf32>
    %broadcast_in_dim3A_147 = vector.broadcast %reduce_sum3A_146 : f32 to vector<16xf32>
    %select_n3A_148 = arith.select %eq3A_142, %broadcast_in_dim3A_147, %select_n3A_139 : vector<16xi1>, vector<16xf32>
    %eq3A_149 = arith.constant 12 : i32
    %eq3A_150 = vector.broadcast %eq3A_149 : i32 to vector<16xi32>
    %eq3A_151 = arith.cmpi eq, %iota3A, %eq3A_150 : vector<16xi32>
    %reduce_sum3A_152 = arith.constant true
    %reduce_sum3A_153 = vector.broadcast %reduce_sum3A_152 : i1 to vector<16xi1>
    %reduce_sum3A_154 = tpu.scan <sum>, %scan3A_41#4 masked %reduce_sum3A_153 : vector<16xf32>, vector<16xi1> -> vector<16xf32>
    %reduce_sum3A_155 = vector.extract %reduce_sum3A_154[15] : f32 from vector<16xf32>
    %broadcast_in_dim3A_156 = vector.broadcast %reduce_sum3A_155 : f32 to vector<16xf32>
    %select_n3A_157 = arith.select %eq3A_151, %broadcast_in_dim3A_156, %select_n3A_148 : vector<16xi1>, vector<16xf32>
    %eq3A_158 = arith.constant 13 : i32
    %eq3A_159 = vector.broadcast %eq3A_158 : i32 to vector<16xi32>
    %eq3A_160 = arith.cmpi eq, %iota3A, %eq3A_159 : vector<16xi32>
    %reduce_sum3A_161 = arith.constant true
    %reduce_sum3A_162 = vector.broadcast %reduce_sum3A_161 : i1 to vector<16xi1>
    %reduce_sum3A_163 = tpu.scan <sum>, %scan3A_41#5 masked %reduce_sum3A_162 : vector<16xf32>, vector<16xi1> -> vector<16xf32>
    %reduce_sum3A_164 = vector.extract %reduce_sum3A_163[15] : f32 from vector<16xf32>
    %broadcast_in_dim3A_165 = vector.broadcast %reduce_sum3A_164 : f32 to vector<16xf32>
    %select_n3A_166 = arith.select %eq3A_160, %broadcast_in_dim3A_165, %select_n3A_157 : vector<16xi1>, vector<16xf32>
    %eq3A_167 = arith.constant 14 : i32
    %eq3A_168 = vector.broadcast %eq3A_167 : i32 to vector<16xi32>
    %eq3A_169 = arith.cmpi eq, %iota3A, %eq3A_168 : vector<16xi32>
    %reduce_sum3A_170 = arith.constant true
    %reduce_sum3A_171 = vector.broadcast %reduce_sum3A_170 : i1 to vector<16xi1>
    %reduce_sum3A_172 = tpu.scan <sum>, %scan3A_41#6 masked %reduce_sum3A_171 : vector<16xf32>, vector<16xi1> -> vector<16xf32>
    %reduce_sum3A_173 = vector.extract %reduce_sum3A_172[15] : f32 from vector<16xf32>
    %broadcast_in_dim3A_174 = vector.broadcast %reduce_sum3A_173 : f32 to vector<16xf32>
    %select_n3A_175 = arith.select %eq3A_169, %broadcast_in_dim3A_174, %select_n3A_166 : vector<16xi1>, vector<16xf32>
    %eq3A_176 = arith.constant 15 : i32
    %eq3A_177 = vector.broadcast %eq3A_176 : i32 to vector<16xi32>
    %eq3A_178 = arith.cmpi eq, %iota3A, %eq3A_177 : vector<16xi32>
    %reduce_sum3A_179 = arith.constant true
    %reduce_sum3A_180 = vector.broadcast %reduce_sum3A_179 : i1 to vector<16xi1>
    %reduce_sum3A_181 = tpu.scan <sum>, %scan3A_41#7 masked %reduce_sum3A_180 : vector<16xf32>, vector<16xi1> -> vector<16xf32>
    %reduce_sum3A_182 = vector.extract %reduce_sum3A_181[15] : f32 from vector<16xf32>
    %broadcast_in_dim3A_183 = vector.broadcast %reduce_sum3A_182 : f32 to vector<16xf32>
    %select_n3A_184 = arith.select %eq3A_178, %broadcast_in_dim3A_183, %select_n3A_175 : vector<16xi1>, vector<16xf32>
    %swap3A = arith.constant 0 : index
    %swap3A_185 = tpu.vector_load %arg8[%swap3A] {strides = array<i32>} : memref<16xf32, #tpu.memory_space<vmem>>, vector<16xf32>,
    tpu.vector_store %arg8[%swap3A], %select_n3A_184 {strides = array<i32>} : memref<16xf32, #tpu.memory_space<vmem>>, vector<16xf32>,
    "tpu.region"() ({
      %run_scoped3A = tpu.sem_alloc : memref<!tpu.dma_semaphore, #tpu.memory_space<semaphore_mem>>
      %dma_start3A_186 = tpu.memref_slice %arg4[%mul3A_2] : memref<512xf32, #tpu.memory_space<hbm>> -> memref<16xf32, #tpu.memory_space<hbm>>
      %dma_start3A_187 = tpu.memref_slice %arg4[%mul3A_2] : memref<512xf32, #tpu.memory_space<hbm>> -> memref<16xf32, #tpu.memory_space<hbm>>
      tpu.enqueue_dma source(%arg8 : memref<16xf32, #tpu.memory_space<vmem>>) target(%dma_start3A_187 : memref<16xf32, #tpu.memory_space<hbm>>) target_semaphore(%run_scoped3A : memref<!tpu.dma_semaphore, #tpu.memory_space<semaphore_mem>>)
      %dma_wait3A_188 = tpu.memref_slice %arg4[%mul3A_2] : memref<512xf32, #tpu.memory_space<hbm>> -> memref<16xf32, #tpu.memory_space<hbm>>
      %dma_wait3A_189 = tpu.memref_slice %arg4[%mul3A_2] : memref<512xf32, #tpu.memory_space<hbm>> -> memref<16xf32, #tpu.memory_space<hbm>>
      tpu.wait_dma2 semaphore(%run_scoped3A : memref<!tpu.dma_semaphore, #tpu.memory_space<semaphore_mem>>) src(%arg8 : memref<16xf32, #tpu.memory_space<vmem>>) dst(%dma_wait3A_189 : memref<16xf32, #tpu.memory_space<hbm>>)
      tpu.yield
    }) : () -> ()
    return
  }
}

module attributes {stable_mosaic.version = 14 : i64} {
  func.func @_costs_body(%arg0: memref<16x256xf32, #tpu.memory_space<vmem>>, %arg1: memref<16xi8, #tpu.memory_space<vmem>>, %arg2: memref<256x2048xf32, #tpu.memory_space<vmem>>, %arg3: memref<16x2048xf32, #tpu.memory_space<vmem>>) attributes {dimension_semantics = [], scalar_prefetch = 0 : i64, scratch_operands = 0 : i64, tpu.core_type = #tpu.core_type<tc>} {
    %get3A = arith.constant 0 : index
    %get3A_0 = arith.constant 0 : index
    %get3A_1 = vector.load %arg0[%get3A, %get3A_0] : memref<16x256xf32, #tpu.memory_space<vmem>>, vector<16x256xf32>
    %get3A_2 = arith.constant 0 : index
    %get3A_3 = arith.constant 0 : index
    %get3A_4 = vector.load %arg2[%get3A_2, %get3A_3] : memref<256x2048xf32, #tpu.memory_space<vmem>>, vector<256x2048xf32>
    %dot_general3A = arith.constant dense<0.000000e+00> : vector<16x2048xf32>
    %dot_general3A_5 = tpu.matmul %get3A_1, %get3A_4, %dot_general3A {dimension_numbers = #tpu.dot_dimension_numbers<[1], [0], [0], [1], [0, 0, 1, 1], [], []>, transpose_lhs_hint = false} : vector<16x256xf32>, vector<256x2048xf32>, vector<16x2048xf32> -> vector<16x2048xf32>
    %get3A_6 = arith.constant 0 : index
    %get3A_7 = vector.load %arg1[%get3A_6] : memref<16xi8, #tpu.memory_space<vmem>>, vector<16xi8>
    %ne3A = arith.constant 0 : i8
    %ne3A_8 = vector.broadcast %ne3A : i8 to vector<16xi8>
    %ne3A_9 = arith.cmpi ne, %get3A_7, %ne3A_8 : vector<16xi8>
    %convert_element_type3A = arith.extui %ne3A_9 : vector<16xi1> to vector<16xi32>
    %convert_element_type3A_10 = arith.sitofp %convert_element_type3A : vector<16xi32> to vector<16xf32>
    %reshape3A = vector.shape_cast %convert_element_type3A_10 : vector<16xf32> to vector<16x1xf32>
    %mul3A = vector.broadcast %reshape3A : vector<16x1xf32> to vector<16x2048xf32>
    %mul3A_11 = arith.mulf %dot_general3A_5, %mul3A : vector<16x2048xf32>
    %swap3A = arith.constant 0 : index
    %swap3A_12 = arith.constant 0 : index
    %swap3A_13 = vector.load %arg3[%swap3A, %swap3A_12] : memref<16x2048xf32, #tpu.memory_space<vmem>>, vector<16x2048xf32>
    tpu.vector_store %arg3[%swap3A, %swap3A_12], %mul3A_11 {strides = array<i32>} : memref<16x2048xf32, #tpu.memory_space<vmem>>, vector<16x2048xf32>,
    return
  }
}

</mosaic_0001>

<sc_bundles>
// kernel: kernel.4.cloned.1.call-start
scs
__scs_entry_jumppad:
0x0: {  	(pc) =	sbr.rel $0x88, $3  }
0x1: {  	(tag) =	ssettag $0x0;
	lr =	simm.s32 $0x1  }
0x2: {  	[smem:$0x3F9D] =	sst lr;
	_ =	strace $0xD0000000  }
0x3: {  	_ = 	snop  }
0x4: {  	_ = 	snop  }
0x5: {  	_ = 	snop  }
0x6: {  	_ = 	snop  }
0x7: {  	_ = 	snop  }
__scs_overlays_trampoline_lowered:
0x8: {  	[smem:$0x3FAC] =	sst s0  }
0x9: {  	[smem:$0x3FAD] =	sst s1  }
0xa: {  	[smem:$0x3FAE] =	sst s2  }
0xb: {  	[smem:$0x3FAF] =	sst s3  }
0xc: {  	[smem:$0x3FB0] =	sst s4  }
0xd: {  	[smem:$0x3FB1] =	sst s5  }
0xe: {  	[smem:$0x3FB2] =	sst s6  }
0xf: {  	[smem:$0x3FB3] =	sst s7  }
0x10: {  	[smem:$0x3FB4] =	sst s8  }
0x11: {  	[smem:$0x3FB5] =	sst s9;
	s0 =	simm.s32 @!p0 $0x0  }
0x12: {  	s1 =	sld [smem:$0x3F9B];
	s0 =	simm.s32 @p0 $0x1  }
0x13: {  	[smem:$0x3FB6] =	sst s0;
	s0 =	simm.s32 @!p1 $0x0  }
0x14: {  	s2 =	sld [smem:$0x3F9A];
	s0 =	simm.s32 @p1 $0x1  }
0x15: {  	[smem:$0x3FB7] =	sst s0;
	s0 =	simm.s32 @!p2 $0x0  }
0x16: {  	s3 =	sld [smem:$0x3FDB];
	s0 =	simm.s32 @p2 $0x1  }
0x17: {  	s4 =	simm.s32 $0x1BF5;
	[smem:$0x3FB9] =	sst s0  }
0x18: {  	s0 =	sld [smem:$0x3F9C];
	_ =	swait.ge [sflag:s4], $0x0  }
0x19: {  	s7 =	sld [smem:$0x3F9D]  }
0x1a: {  	s8 =	sadd.s32 $0xFFFFE003, lr  }
0x1b: {  	s9 =	sadd.s32 $0xFFFFFEF7, lr;
	s5 =	simm.s32 $0xFFFFFFFF;
	p2 =	slt.u32 s8, $0xFFFFF086  }
0x1c: {  	p1 =	slt.u32 s9, $0xF7A;
	s5 =	simm.s32 @!p2 $0x0  }
0x1d: {  	s5 =	simm.s32 @p1 $0x1;
	p0 =	seq.s32 s7, s2  }
0x1e: {  	s7 =	smul.u32 @!p0 $0xF7A, s2;
	p2 =	seq.s32 @!p0 s5, $0x0  }
0x1f: {  	s9 =	smul.u32 $0xF7A, s1;
	s8 =	simm.s32 @!p0 $0x1BF5;
	p2 =	por !p2, p0  }
0x20: {  	[sflag:s8] =	ssyncset.s32 @!p0 $0xFFFFF086;
	s6 =	sadd.s32 @!p0 s3, s7;
	s7 =	simm.s32 @!p0 $0x108  }
0x21: {  	s3 =	sadd.s32 s3, s9;
	s6 =	sadd.s32 @!p0 $0x88, s6;
	s7 =	simm.s32 @p2 $0x1082  }
0x22: {  	[simem:s7], [sflag:s8] =	dma.local @!p0 [hbm:s6], $0xF7A  }
0x23: {  	s9 =	sor.u32 $0xD0000000, s2;
	s6 =	simm.s32 $0x108;
	_ =	swait.ge @!p0 [sflag:s8], $0x0  }
0x24: {  	s3 =	sadd.s32 $0x88, s3;
	s6 =	simm.s32 @!p1 $0x1082;
	[sflag:s4] =	ssyncset.s32 $0xFFFFF086  }
0x25: {  	[simem:s6], [sflag:s4] =	dma.local [hbm:s3], $0xF7A  }
0x26: {  	[smem:$0x3F9D] =	sst s1;
	(tag) =	ssettag s2;
	_ =	strace s9  }
0x27: {  	s1 =	sld [smem:$0x3FAD]  }
0x28: {  	s2 =	sld [smem:$0x3FAE]  }
0x29: {  	s4 =	sld [smem:$0x3FB0]  }
0x2a: {  	p0 =	seq.s32 s5, $0x0;
	s5 =	sld [smem:$0x3FB1]  }
0x2b: {  	s6 =	sld [smem:$0x3FB2]  }
0x2c: {  	s7 =	sld [smem:$0x3FB3]  }
0x2d: {  	s3 =	simm.s32 $0x108;
	s8 =	sld [smem:$0x3FB4]  }
0x2e: {  	s3 =	simm.s32 @!p0 $0x1082;
	s9 =	sld [smem:$0x3FB5]  }
0x2f: {  	lr =	sadd.s32 s0, s3;
	s0 =	sld [smem:$0x3FAC]  }
0x30: {  	s3 =	sld [smem:$0x3FAF]  }
0x31: {  	[smem:$0x3FB8] =	sst s10  }
0x32: {  	s10 =	sld [smem:$0x3FB6];
	_ =	sdelay $0x3  }
0x33: {  	p0 =	seq.s32 s10, $0x1;
	s10 =	sld [smem:$0x3FB8];
	_ =	sdelay $0x3  }
0x34: {  	[smem:$0x3FB8] =	sst s10  }
0x35: {  	s10 =	sld [smem:$0x3FB7];
	_ =	sdelay $0x3  }
0x36: {  	p1 =	seq.s32 s10, $0x1;
	s10 =	sld [smem:$0x3FB8];
	_ =	sdelay $0x3  }
0x37: {  	[smem:$0x3FB8] =	sst s10  }
0x38: {  	s10 =	sld [smem:$0x3FB9]  }
0x39: {  	_ = 	snop;
	(pc) =	sbr.ind lr, $3  }
0x3a: {  	_ = 	snop  }
0x3b: {  	_ = 	snop  }
0x3c: {  	p2 =	seq.s32 s10, $0x1;
	s10 =	sld [smem:$0x3FB8]  }
0x3d: {  	_ =	shalt  }
0x3e: {  	_ =	shalt  }
0x3f: {  	_ =	shalt  }
0x40: {  	_ =	shalt  }
0x41: {  	_ =	shalt  }
0x42: {  	_ =	shalt  }
0x43: {  	_ =	shalt  }
0x44: {  	_ =	shalt  }
0x45: {  	_ =	shalt  }
0x46: {  	_ =	shalt  }
0x47: {  	_ =	shalt  }
0x48: {  	_ =	shalt  }
0x49: {  	_ =	shalt  }
0x4a: {  	_ =	shalt  }
0x4b: {  	_ =	shalt  }
0x4c: {  	_ =	shalt  }
0x4d: {  	_ =	shalt  }
0x4e: {  	_ =	shalt  }
0x4f: {  	_ =	shalt  }
0x50: {  	_ =	shalt  }
0x51: {  	_ =	shalt  }
0x52: {  	_ =	shalt  }
0x53: {  	_ =	shalt  }
0x54: {  	_ =	shalt  }
0x55: {  	_ =	shalt  }
0x56: {  	_ =	shalt  }
0x57: {  	_ =	shalt  }
0x58: {  	_ =	shalt  }
0x59: {  	_ =	shalt  }
0x5a: {  	_ =	shalt  }
0x5b: {  	_ =	shalt  }
0x5c: {  	_ =	shalt  }
0x5d: {  	_ =	shalt  }
0x5e: {  	_ =	shalt  }
0x5f: {  	_ =	shalt  }
0x60: {  	_ =	shalt  }
0x61: {  	_ =	shalt  }
0x62: {  	_ =	shalt  }
0x63: {  	_ =	shalt  }
0x64: {  	_ =	shalt  }
0x65: {  	_ =	shalt  }
0x66: {  	_ =	shalt  }
0x67: {  	_ =	shalt  }
0x68: {  	_ =	shalt  }
0x69: {  	_ =	shalt  }
0x6a: {  	_ =	shalt  }
0x6b: {  	_ =	shalt  }
0x6c: {  	_ =	shalt  }
0x6d: {  	_ =	shalt  }
0x6e: {  	_ =	shalt  }
0x6f: {  	_ =	shalt  }
0x70: {  	_ =	shalt  }
0x71: {  	_ =	shalt  }
0x72: {  	_ =	shalt  }
0x73: {  	_ =	shalt  }
0x74: {  	_ =	shalt  }
0x75: {  	_ =	shalt  }
0x76: {  	_ =	shalt  }
0x77: {  	_ =	shalt  }
0x78: {  	_ =	shalt  }
0x79: {  	_ =	shalt  }
0x7a: {  	_ =	shalt  }
0x7b: {  	_ =	shalt  }
0x7c: {  	_ =	shalt  }
0x7d: {  	_ =	shalt  }
0x7e: {  	_ =	shalt  }
0x7f: {  	_ =	shalt  }
0x80: {  	_ =	shalt  }
0x81: {  	_ =	shalt  }
0x82: {  	_ =	shalt  }
0x83: {  	_ =	shalt  }
0x84: {  	_ =	shalt  }
0x85: {  	_ =	shalt  }
0x86: {  	_ =	shalt  }
0x87: {  	_ =	shalt  }
.Lfunc_end0:
.L_simem_size_0:
called_computation_lowered:
.L_overlay_start_0:
0x88: {  	s2 =	sld [smem:$0x3FD9]  }
0x89: {  	s3 =	sld [smem:$0x3FFE];
	_ =	sdelay $0x1  }
0x8a: {  	s1 =	srdreg.scid  }
0x8b: {  	s0 =	sand.u32 $0x1, s1  }
0x8c: {  	s17 =	sshll.u32 s0, $0xA;
	s2 =	sadd.s32 s3, s2  }
0x8d: {  	s2 =	sadd.s32 s2, s17  }
0x8e: {  	[smem:$0x3FC4] =	sst s2  }
0x8f: {  	_ = 	snop  }
0x90: {  	s2 =	sld [smem:$0x3FC8]  }
0x91: {  	s18 =	sld [smem:$0x3FD0];
	(tm) =	ssettm $0x1  }
0x92: {  	s4 =	sld [smem:$0x3FFB];
	_ =	sdelay $0x3  }
0x93: {  	_ =	strace s4  }
0x94: {  	s4 =	sld [smem:$0x3FFC];
	_ =	sdelay $0x3  }
0x95: {  	_ =	strace s4  }
0x96: {  	s4 =	sld [smem:$0x3FFD];
	_ =	sdelay $0x3  }
0x97: {  	_ =	strace s4  }
0x98: {  	_ =	strace $0x8FFFFFFF  }
0x99: {  	s19 =	sld [smem:$0x3FDB];
	_ =	sdelay $0x1  }
0x9a: {  	s5 =	simm.s32 $_scs_section_size  }
0x9b: {  	s6 =	simm.s32 $_size__tile_overlayer_lowered;
	s7 =	simm.s32 $_tile_overlayer_lowered  }
0x9c: {  	s22 =	simm.s32 $0x1BFF;
	s21 =	sshll.u32 s7, $0x1;
	s4 =	sadd.s32 s5, s19  }
0x9d: {  	s8 =	simm.s32 $0x0;
	s20 =	sshll.u32 s6, $0x1;
	s6 =	sadd.s32 s21, s4  }
0x9e: {  	[timem:s8], [sflag:s22] =	dma.local [hbm:s6], s20  }
0x9f: {  	_ =	swait.ge [sflag:s22], s20  }
0xa0: {  	s5 =	ssub.s32 $0x0, s20;
	[sflag:s22] =	ssyncset.done $0x0  }
0xa1: {  	[sflag:s22] =	ssyncadd.s32 s5;
	_ =	sdelay $0x1  }
0xa2: {  	s23 =	simm.s32 $0x1B8B  }
0xa3: {  	_ =	swait.ge [sflag:s23], $0x1  }
0xa4: {  	[sflag:s23] =	ssyncset.done $0x0  }
0xa5: {  	s25 =	simm.s32 $0x1B8E;
	s24 =	sld [smem:$0x3FFE];
	[sflag:s23] =	ssyncadd.s32 $0xFFFFFFFF  }
0xa6: {  	s26 =	simm.s32 $execute0_lowered;
	[smem:$0x3FD2] =	sst s25  }
0xa7: {  	s6 =	sshll.u32 s26, $0x1;
	_ =	strace $0x80000046;
	[dreg:$0x1] =	wrdreg $0xFFFFFFFF  }
0xa8: {  	s28 =	simm.s32 $_size_execute0_lowered;
	s4 =	sadd.s32 s4, s6;
	[dreg:$0x0] =	wrdreg $0x0  }
0xa9: {  	s6 =	sshll.u32 s28, $0x1;
	[dreg:$0x2] =	wrdreg s4  }
0xaa: {  	[dreg:$0x3] =	wrdreg s6  }
0xab: {  	[dreg:$0x4] =	wrdreg $0xC0  }
0xac: {  	_ =	task [dreg:s8], $0x5FFFF  }
0xad: {  	[dreg:$0x1] =	wrdreg $0xFFFFFFFF  }
0xae: {  	[dreg:$0x0] =	wrdreg $0x60  }
0xaf: {  	[dreg:$0x2] =	wrdreg s24  }
0xb0: {  	[dreg:$0x3] =	wrdreg s2  }
0xb1: {  	[dreg:$0x4] =	wrdreg s18  }
0xb2: {  	[dreg:$0x5] =	wrdreg $0x9  }
0xb3: {  	_ =	task.clear_ibuf [dreg:s8], $0x6FFFF;
	_ =	strace $0x90000046  }
0xb4: {  	s29 =	simm.s32 $0x9;
	_ =	strace $0x80000048  }
0xb5: {  	_ =	swait.ge [sflag:s29], $0x1  }
0xb6: {  	[sflag:s29] =	ssyncadd.s32 $0xFFFFFFFF  }
0xb7: {  	_ =	strace $0x90000048  }
0xb8: {  	_ =	sfence  }
0xb9: {  	s30 =	sld [smem:$0x0];
	_ =	sdelay $0x2  }
0xba: {  	s31 =	sshll.u32 s1, $0xD;
	s1 =	sshrl.u32 s1, $0x2  }
0xbb: {  	s3 =	sand.u32 $0x4000, s31;
	s1 =	sadd.s32 s1, s30  }
0xbc: {  	s0 =	sor.u32 s3, s0;
	s1 =	sshll.u32 s1, $0x11  }
0xbd: {  	s0 =	sor.u32 s1, s0  }
0xbe: {  	s0 =	sadd.s32 $0x8F2B, s0  }
0xbf: {  	[sflag:s0] =	ssyncadd.remote.s32 $0x1  }
0xc0: {  	_ =	sfence.sel $0xFFFF  }
0xc1: {  	[dreg:$0x0] =	wrdreg $0xFFFFFFFF;
	(pc) =	sbr.abs _section_cstart, $3  }
0xc2: {  	[dreg:$0x1] =	wrdreg $0xFFFFFFFF  }
0xc3: {  	_ =	task.clear_ibuf [dreg:s8], $0x2FFFF;
	_ =	strace $0x9FFFFFFF  }
0xc4: {  	(tm) =	ssettm $0x7FFFFFFF  }
0xc5: {  	_ =	shalt  }
tec
execute0_lowered:
.L_overlay_start_1:
0x0: {  	(tag) =	ssettag $0x1  }
0x1: {  	s1 =	srdreg.scid  }
0x2: {  	s0 =	stileid.u32;
	s6 =	rddreg [dreg:$0x0]  }
0x3: {  	s7 =	rddreg [dreg:$0x1];
	s4 =	sand.u32 $0x1, s1;
	s29 =	sshll.u32 s0, $0x1  }
0x4: {  	s2 =	simm.s32 $0x1;
	s8 =	rddreg [dreg:$0x2];
	s5 =	sor.u32 s4, s29  }
0x5: {  	s11 =	simm.s32 $0x80;
	p1 =	seq.s32 s4, $0x1;
	p0 =	seq.s32 s5, $0x0  }
0x6: {  	s12 =	simm.s32 $0x400;
	s13 =	simm.s32 $0x3;
	p0 =	por !p0, !p1  }
0x7: {  	s14 =	simm.s32 $0x2;
	s15 =	simm.s32 $0x8800;
	p0 =	por !p0, !p0  }
0x8: {  	s16 =	simm.s32 $0x0;
	s4 =	ssub.s32 $0x2, s4;
	s2 =	simm.s32 @!p0 $0x0  }
0x9: {  	s1 =	rddreg [dreg:$0x3];
	s30 =	sshrl.u32 s4, $0x1;
	s3 =	ssub.s32 s0, s2  }
0xa: {  	s10 =	sshll.u32 s5, $0xC;
	s9 =	sshll.u32 s3, $0xB;
	s3 =	sshll.u32 s3, $0x7  }
0xb: {  	s2 =	simm.s32 $0x0;
	s9 =	sand.u32 $0xFFFFC000, s9;
	s3 =	sand.u32 $0x380, s3  }
0xc: {  	vm0 =	vmmov $0x1;
	vm1 =	vmmov $0x3;
	vm2 =	vmmov $0x7;
	s31 =	sshll.u32 s5, $0x1;
	[smem:$0x7FF] =	sst s2;
	s9 =	sor.u32 s3, s9  }
0xd: {  	vm3 =	vmmov $0xf;
	vm4 =	vmmov $0x1f;
	vm5 =	vmmov $0x3f;
	_ =	strace $0x80000047;
	s3 =	simm.s32 $0x1;
	s9 =	sshrl.u32 s9, $0x3  }
0xe: {  	vm6 =	vmmov $0x7f;
	vm7 =	vmmov $0xff;
	vm8 =	vmmov $0x1ff;
	s6 =	sadd.s32 s9, s6;
	s9 =	ssub.s32 s4, s30;
	s4 =	sadd.s32 s7, s10  }
0xf: {  	vm9 =	vmmov $0x3ff;
	vm10 =	vmmov $0x7ff;
	vm11 =	vmmov $0xfff;
	s7 =	sadd.s32 s8, s31;
	s10 =	simm.s32 $0x4800;
	s5 =	sadd.s32 $0x800, s4  }
0x10: {  	vm12 =	vmmov $0x1fff;
	vm13 =	vmmov $0x3fff;
	vm14 =	vmmov $0x7fff;
	s6 =	sadd.s32 $0xA00, s6;
	s8 =	smax.u32 s9, $0x1;
	s9 =	simm.s32 $0x800  }
.LBB2_1:
0x11: {  	[tilespmem:s9], [sflag:$0x1] =	stream.linear.gather [hbm4b:s4+s2], $0x4000, $0x38;
	[tilespmem:$0x8880] =	vst v63  }
0x12: {  	_ = 	snop  }
0x13: {  	[tilespmem:s10], [sflag:$0x2] =	stream.linear.gather [hbm4b:s5+s2], $0x4000, $0x38;
	[tilespmem:$0x8880] =	vst v63  }
0x14: {  	_ = 	snop  }
0x15: {  	[tilespmem:s2], [sflag:$0x3] =	stream.strided.gather [hbm4b:s6+s11], $0x800, s12, s11, $0x38;
	[tilespmem:$0x8880] =	vst v63  }
0x16: {  	_ =	swait.ge [sflag:s13], $0x800  }
0x17: {  	[sflag:s13] =	ssyncset.done $0x0  }
0x18: {  	[sflag:s13] =	ssyncadd.s32 $0xFFFFF800  }
0x19: {  	_ =	swait.ge [sflag:s3], $0x4000  }
0x1a: {  	[sflag:s3] =	ssyncset.done $0x0  }
0x1b: {  	s18 =	simm.s32 $0x20;
	[sflag:s3] =	ssyncadd.s32 $0xFFFFC000  }
0x1c: {  	s17 =	simm.s32 $0x2810;
	v2 =	vld [tilespmem:s18+$0x10]  }
0x1d: {  	v0 =	vld [tilespmem:s17+$0xFFFFE020]  }
0x1e: {  	v1 =	vld [tilespmem:s17+$0xFFFFE820]  }
0x1f: {  	v3 =	vld [tilespmem:s17+$0xFFFFF020]  }
0x20: {  	v7 =	vld [tilespmem:s17+$0xFFFFF820]  }
0x21: {  	v8 =	vld [tilespmem:s17+$0x20]  }
0x22: {  	v10 =	vld [tilespmem:s17+$0x820]  }
0x23: {  	v6 =	vld [tilespmem:s18+$0x0]  }
0x24: {  	v12 =	vld [tilespmem:s17+$0xFFFFE010]  }
0x25: {  	v13 =	vld [tilespmem:s17+$0xFFFFE810]  }
0x26: {  	v15 =	vld [tilespmem:s17+$0xFFFFF010]  }
0x27: {  	v16 =	vld [tilespmem:s17+$0xFFFFF810]  }
0x28: {  	v17 =	vld [tilespmem:s17+$0x10]  }
0x29: {  	v22 =	vld [tilespmem:s17+$0x810]  }
0x2a: {  	v11 =	vld [tilespmem:s18+$0xFFFFFFF0]  }
0x2b: {  	v23 =	vld [tilespmem:s17+$0xFFFFE000]  }
0x2c: {  	v24 =	vld [tilespmem:s17+$0xFFFFE800]  }
0x2d: {  	v14 =	vld [tilespmem:s18+$0xFFFFFFE0]  }
0x2e: {  	s20 =	sand.u32 $0x7C0, s2;
	v25 =	vld [tilespmem:s17+$0xFFFFDFF0];
	v5 =	vmul.f32 v0, v2;
	v18 =	vmul.f32 v1, v2  }
0x2f: {  	v26 =	vld [tilespmem:s20+$0x1800];
	v4 =	vmul.f32 v3, v2;
	v3 =	vmul.f32 v7, v2  }
0x30: {  	v28 =	vld [tilespmem:s20+$0x2000];
	v9 =	vmul.f32 v8, v2;
	v8 =	vmul.f32 v10, v2  }
0x31: {  	v0 =	vld [tilespmem:s20+$0x1000];
	v7 =	vmul.f32 v12, v6;
	v19 =	vmul.f32 v13, v6  }
0x32: {  	v31 =	vld [tilespmem:s17+$0xFFFFF000];
	v20 =	vmul.f32 v15, v6;
	v21 =	vmul.f32 v16, v6  }
0x33: {  	v13 =	vmul.f32 v17, v6;
	v12 =	vmul.f32 v22, v6  }
0x34: {  	v15 =	vld [tilespmem:s17+$0xFFFFF800];
	v1 =	vmul.f32 v23, v11;
	v27 =	vmul.f32 v24, v11  }
0x35: {  	v23 =	vld [tilespmem:s17+$0x0];
	v16 =	vmul.f32 v25, v14;
	v17 =	vmul.f32 v26, v14  }
0x36: {  	v10 =	vimm.f32 $0.0e+00;
	v22 =	vld [tilespmem:s17+$0x800];
	v26 =	vmul.f32 v28, v14;
	v0 =	vmul.f32 v0, v14  }
0x37: {  	v24 =	vld [tilespmem:s20+$0x2800];
	v28 =	vmul.f32 v31, v11;
	v29 =	vadd.f32 v16, v10;
	v31 =	vadd.f32 v17, v10  }
0x38: {  	v25 =	vld [tilespmem:s20+$0x3000];
	v32 =	vadd.f32 v26, v10;
	v17 =	vimm.f32 $0.0e+00;
	v30 =	vadd.f32 v0, v10  }
0x39: {  	s19 =	simm.s32 $0x40;
	v26 =	vld [tilespmem:s20+$0x3800];
	v16 =	vimm.f32 $0.0e+00;
	v33 =	vmul.f32 v15, v11;
	v15 =	vimm.f32 $0.0e+00  }
.LBB2_2:
0x3a: {  	p0 =	sne.s32 s19, $0x7C0;
	v0 =	vadd.f32 v1, v29;
	v1 =	vadd.f32 v27, v30;
	v23 =	vmul.f32 v23, v11;
	v27 =	vld [tilespmem:s20+$0x4000]  }
0x3b: {  	v28 =	vadd.f32 v28, v31;
	v29 =	vadd.f32 v33, v32;
	v22 =	vmul.f32 v22, v11;
	v30 =	vld [tilespmem:s17+$0x1000]  }
0x3c: {  	v0 =	vadd.f32 v7, v0;
	v1 =	vadd.f32 v19, v1;
	v7 =	vmul.f32 v24, v14;
	v19 =	vld [tilespmem:s17+$0x1800]  }
0x3d: {  	v20 =	vadd.f32 v20, v28;
	v21 =	vadd.f32 v21, v29;
	v24 =	vmul.f32 v25, v14;
	v25 =	vld [tilespmem:s17+$0x1010]  }
0x3e: {  	v0 =	vadd.f32 v5, v0;
	v28 =	vadd.f32 v18, v1;
	v1 =	vmul.f32 v26, v14;
	v5 =	vld [tilespmem:s17+$0x1810]  }
0x3f: {  	v26 =	vadd.f32 v4, v20;
	v32 =	vadd.f32 v3, v21;
	v3 =	vld [tilespmem:s17+$0x1020];
	v4 =	vmul.f32 v27, v14  }
0x40: {  	s18 =	sadd.s32 $0x40, s18;
	v7 =	vadd.f32 v7, v10;
	v10 =	vadd.f32 v24, v17;
	v14 =	vmul.f32 v30, v11;
	v17 =	vld [tilespmem:s17+$0x1820]  }
0x41: {  	v1 =	vadd.f32 v1, v15;
	s17 =	sadd.s32 $0x40, s17;
	v18 =	vld [tilespmem:s18+$0x10];
	v4 =	vadd.f32 v4, v16;
	v11 =	vmul.f32 v19, v11  }
0x42: {  	v7 =	vadd.f32 v23, v7;
	v10 =	vadd.f32 v22, v10;
	v19 =	vld [tilespmem:s17+$0xFFFFE020];
	v15 =	vmul.f32 v25, v6  }
0x43: {  	v1 =	vadd.f32 v14, v1;
	v20 =	vld [tilespmem:s17+$0xFFFFE820];
	v4 =	vadd.f32 v11, v4;
	v5 =	vmul.f32 v5, v6  }
0x44: {  	v6 =	vadd.f32 v13, v7;
	v7 =	vadd.f32 v12, v10;
	v21 =	vld [tilespmem:s17+$0xFFFFF020];
	v3 =	vmul.f32 v3, v2  }
0x45: {  	v1 =	vadd.f32 v15, v1;
	v12 =	vld [tilespmem:s17+$0xFFFFF820];
	v4 =	vadd.f32 v5, v4;
	v5 =	vmul.f32 v17, v2  }
0x46: {  	v10 =	vadd.f32 v9, v6;
	v17 =	vadd.f32 v8, v7;
	v13 =	vld [tilespmem:s17+$0x20];
	v2 =	vmov v18  }
0x47: {  	v15 =	vadd.f32 v3, v1;
	v7 =	vld [tilespmem:s17+$0x820];
	v16 =	vadd.f32 v5, v4  }
0x48: {  	v6 =	vld [tilespmem:s18+$0x0]  }
0x49: {  	v1 =	vld [tilespmem:s17+$0xFFFFE010]  }
0x4a: {  	v22 =	vld [tilespmem:s17+$0xFFFFE810]  }
0x4b: {  	v23 =	vld [tilespmem:s17+$0xFFFFF010]  }
0x4c: {  	v24 =	vld [tilespmem:s17+$0xFFFFF810]  }
0x4d: {  	v25 =	vld [tilespmem:s17+$0x10]  }
0x4e: {  	v27 =	vld [tilespmem:s17+$0x810]  }
0x4f: {  	v11 =	vld [tilespmem:s18+$0xFFFFFFF0]  }
0x50: {  	v29 =	vld [tilespmem:s17+$0xFFFFE000]  }
0x51: {  	v30 =	vld [tilespmem:s17+$0xFFFFE800]  }
0x52: {  	v14 =	vld [tilespmem:s18+$0xFFFFFFE0]  }
0x53: {  	s20 =	sand.u32 $0x7C0, s19;
	v5 =	vmul.f32 v19, v2;
	v18 =	vmul.f32 v20, v2;
	v31 =	vld [tilespmem:s17+$0xFFFFDFF0]  }
0x54: {  	v4 =	vmul.f32 v21, v2;
	v3 =	vmul.f32 v12, v2;
	v33 =	vld [tilespmem:s20+$0x1000]  }
0x55: {  	v9 =	vmul.f32 v13, v2;
	v8 =	vmul.f32 v7, v2;
	v34 =	vld [tilespmem:s20+$0x1800]  }
0x56: {  	v7 =	vmul.f32 v1, v6;
	v19 =	vmul.f32 v22, v6;
	v35 =	vld [tilespmem:s20+$0x2000]  }
0x57: {  	v20 =	vmul.f32 v23, v6;
	v21 =	vmul.f32 v24, v6;
	v36 =	vld [tilespmem:s17+$0xFFFFF000]  }
0x58: {  	v13 =	vmul.f32 v25, v6;
	v12 =	vmul.f32 v27, v6;
	v37 =	vld [tilespmem:s17+$0xFFFFF800]  }
.Ltmp0:
0x59: {  	v1 =	vmul.f32 v29, v11;
	v27 =	vmul.f32 v30, v11;
	v23 =	vld [tilespmem:s17+$0x0];
	(pc) =	sbr.rel @p0 .LBB2_2-.Ltmp0, $4  }
0x5a: {  	v25 =	vmul.f32 v31, v14;
	v30 =	vmul.f32 v33, v14;
	v22 =	vld [tilespmem:s17+$0x800]  }
0x5b: {  	v31 =	vmul.f32 v34, v14;
	v33 =	vmul.f32 v35, v14;
	v24 =	vld [tilespmem:s20+$0x2800]  }
0x5c: {  	v29 =	vadd.f32 v25, v0;
	v30 =	vadd.f32 v30, v28;
	v28 =	vmul.f32 v36, v11;
	v25 =	vld [tilespmem:s20+$0x3000]  }
0x5d: {  	s19 =	sadd.s32 $0x40, s19;
	v31 =	vadd.f32 v31, v26;
	v32 =	vadd.f32 v33, v32;
	v33 =	vmul.f32 v37, v11;
	v26 =	vld [tilespmem:s20+$0x3800]  }
0x5e: {  	v34 =	vld [tilespmem:s20+$0x4000]  }
0x5f: {  	v35 =	vld [tilespmem:s17+$0x1000]  }
0x60: {  	v36 =	vld [tilespmem:s17+$0x1800]  }
0x61: {  	v37 =	vld [tilespmem:s17+$0x1010]  }
0x62: {  	v38 =	vld [tilespmem:s17+$0x1810]  }
0x63: {  	v39 =	vld [tilespmem:s17+$0x1020]  }
0x64: {  	v40 =	vld [tilespmem:s17+$0x1820];
	_ =	swait.ge [sflag:s14], $0x4000  }
0x65: {  	[sflag:s14] =	ssyncset.done $0x0  }
0x66: {  	s18 =	simm.s32 $0x20;
	[sflag:s14] =	ssyncadd.s32 $0xFFFFC000  }
0x67: {  	s17 =	simm.s32 $0x6810;
	v0 =	vld [tilespmem:s18+$0x10]  }
0x68: {  	v41 =	vld [tilespmem:s17+$0xFFFFE020]  }
0x69: {  	v42 =	vld [tilespmem:s17+$0xFFFFE820]  }
0x6a: {  	v43 =	vld [tilespmem:s17+$0xFFFFF020]  }
0x6b: {  	v44 =	vld [tilespmem:s17+$0xFFFFF820]  }
0x6c: {  	v45 =	vld [tilespmem:s17+$0x20]  }
0x6d: {  	v29 =	vadd.f32 v1, v29;
	v27 =	vadd.f32 v27, v30;
	v30 =	vld [tilespmem:s17+$0x820]  }
0x6e: {  	v28 =	vadd.f32 v28, v31;
	v31 =	vadd.f32 v33, v32;
	v1 =	vld [tilespmem:s18+$0x0]  }
0x6f: {  	v7 =	vadd.f32 v7, v29;
	v19 =	vadd.f32 v19, v27;
	v27 =	vld [tilespmem:s17+$0xFFFFE010]  }
0x70: {  	v23 =	vmul.f32 v23, v11;
	v20 =	vadd.f32 v20, v28;
	v21 =	vadd.f32 v21, v31;
	v28 =	vld [tilespmem:s17+$0xFFFFE810]  }
0x71: {  	v29 =	vld [tilespmem:s17+$0x10];
	v7 =	vadd.f32 v5, v7;
	v5 =	vadd.f32 v18, v19;
	v19 =	vmul.f32 v24, v14  }
0x72: {  	v31 =	vld [tilespmem:s17+$0x810];
	v24 =	vmul.f32 v25, v14;
	v25 =	vmul.f32 v26, v14  }
0x73: {  	s19 =	simm.s32 $0x0;
	v56 =	vld [tilespmem:s17+$0xFFFFE000];
	v3 =	vadd.f32 v3, v21;
	v14 =	vmul.f32 v34, v14;
	v21 =	vmul.f32 v22, v11  }
0x74: {  	s20 =	sand.u32 $0x7C0, s19;
	v57 =	vld [tilespmem:s17+$0xFFFFE800];
	v4 =	vadd.f32 v4, v20;
	v22 =	vmul.f32 v35, v11;
	v11 =	vmul.f32 v36, v11  }
0x75: {  	v59 =	vld [tilespmem:s20+$0x5000];
	v58 =	vmul.f32 v39, v2;
	v2 =	vmul.f32 v40, v2;
	v19 =	vadd.f32 v19, v10  }
0x76: {  	v18 =	vld [tilespmem:s17+$0xFFFFF010];
	v17 =	vadd.f32 v24, v17;
	v15 =	vadd.f32 v25, v15;
	v24 =	vmul.f32 v37, v6  }
0x77: {  	v61 =	vld [tilespmem:s20+$0x5800];
	v6 =	vmul.f32 v38, v6;
	v14 =	vadd.f32 v14, v16;
	v16 =	vadd.f32 v23, v19  }
0x78: {  	v20 =	vld [tilespmem:s17+$0xFFFFF810];
	v15 =	vadd.f32 v22, v15;
	v22 =	vmul.f32 v41, v0;
	v23 =	vmul.f32 v42, v0  }
0x79: {  	v10 =	vld [tilespmem:s18+$0xFFFFFFF0];
	v17 =	vadd.f32 v21, v17;
	v21 =	vmul.f32 v43, v0;
	v19 =	vmul.f32 v44, v0  }
0x7a: {  	v62 =	vld [tilespmem:s20+$0x6000];
	v26 =	vmul.f32 v27, v1;
	v25 =	vadd.f32 v11, v14;
	v11 =	vmul.f32 v30, v0  }
0x7b: {  	v14 =	vld [tilespmem:s18+$0xFFFFFFE0];
	v27 =	vmul.f32 v18, v1;
	v13 =	vadd.f32 v13, v16;
	v17 =	vadd.f32 v12, v17  }
0x7c: {  	v16 =	vld [tilespmem:s17+$0xFFFFDFF0];
	v60 =	vadd.f32 v24, v15;
	v12 =	vmul.f32 v45, v0;
	v24 =	vmul.f32 v28, v1  }
0x7d: {  	v18 =	vld [tilespmem:s17+$0xFFFFF800];
	v15 =	vmul.f32 v31, v1;
	v30 =	vadd.f32 v6, v25;
	v25 =	vmul.f32 v20, v1  }
0x7e: {  	v33 =	vmul.f32 v56, v10;
	v34 =	vmul.f32 v57, v10;
	v9 =	vadd.f32 v9, v13  }
0x7f: {  	v13 =	vld [tilespmem:s17+$0xFFFFF000];
	v8 =	vadd.f32 v8, v17;
	v17 =	vmul.f32 v29, v1;
	v6 =	vadd.f32 v58, v60  }
0x80: {  	v32 =	vld [tilespmem:s17+$0x0];
	v2 =	vadd.f32 v2, v30;
	v29 =	vmul.f32 v59, v14;
	v63 =	vmul.f32 v61, v14  }
0x81: {  	v28 =	vld [tilespmem:s17+$0x800];
	v38 =	vmul.f32 v62, v14;
	v20 =	vmul.f32 v16, v14;
	v16 =	vimm.f32 $0.0e+00  }
0x82: {  	v30 =	vld [tilespmem:s20+$0x6800];
	v40 =	vmul.f32 v18, v10;
	v37 =	vadd.f32 v29, v16;
	v39 =	vadd.f32 v63, v16  }
0x83: {  	v31 =	vld [tilespmem:s20+$0x7000];
	v18 =	vimm.f32 $0.0e+00;
	v38 =	vadd.f32 v38, v16;
	v36 =	vadd.f32 v20, v16  }
0x84: {  	s19 =	simm.s32 $0x40;
	v29 =	vld [tilespmem:s20+$0x7800];
	v35 =	vmul.f32 v13, v10;
	v20 =	vimm.f32 $0.0e+00;
	v13 =	vimm.f32 $0.0e+00  }
.LBB2_4:
0x85: {  	p0 =	sne.s32 s19, $0x7C0;
	v33 =	vadd.f32 v33, v36;
	v34 =	vadd.f32 v34, v37;
	v32 =	vmul.f32 v32, v10;
	v36 =	vld [tilespmem:s20+$0x8000]  }
0x86: {  	v35 =	vadd.f32 v35, v39;
	v37 =	vadd.f32 v40, v38;
	v28 =	vmul.f32 v28, v10;
	v38 =	vld [tilespmem:s17+$0x1000]  }
0x87: {  	v26 =	vadd.f32 v26, v33;
	v24 =	vadd.f32 v24, v34;
	v30 =	vmul.f32 v30, v14;
	v33 =	vld [tilespmem:s17+$0x1800]  }
0x88: {  	v27 =	vadd.f32 v27, v35;
	v25 =	vadd.f32 v25, v37;
	v31 =	vmul.f32 v31, v14;
	v34 =	vld [tilespmem:s17+$0x1010]  }
0x89: {  	v35 =	vadd.f32 v22, v26;
	v37 =	vadd.f32 v23, v24;
	v22 =	vmul.f32 v29, v14;
	v23 =	vld [tilespmem:s17+$0x1810]  }
0x8a: {  	v29 =	vadd.f32 v21, v27;
	v40 =	vadd.f32 v19, v25;
	v19 =	vld [tilespmem:s17+$0x1020];
	v14 =	vmul.f32 v36, v14  }
0x8b: {  	s18 =	sadd.s32 $0x40, s18;
	v16 =	vadd.f32 v30, v16;
	v20 =	vadd.f32 v31, v20;
	v21 =	vmul.f32 v38, v10;
	v24 =	vld [tilespmem:s17+$0x1820]  }
0x8c: {  	v18 =	vadd.f32 v22, v18;
	s17 =	sadd.s32 $0x40, s17;
	v25 =	vld [tilespmem:s18+$0x10];
	v13 =	vadd.f32 v14, v13;
	v10 =	vmul.f32 v33, v10  }
0x8d: {  	v14 =	vadd.f32 v32, v16;
	v16 =	vadd.f32 v28, v20;
	v22 =	vld [tilespmem:s17+$0xFFFFE020];
	v20 =	vmul.f32 v34, v1  }
0x8e: {  	v18 =	vadd.f32 v21, v18;
	v26 =	vld [tilespmem:s17+$0xFFFFE820];
	v10 =	vadd.f32 v10, v13;
	v1 =	vmul.f32 v23, v1  }
0x8f: {  	v13 =	vadd.f32 v17, v14;
	v14 =	vadd.f32 v15, v16;
	v21 =	vld [tilespmem:s17+$0xFFFFF020];
	v15 =	vmul.f32 v19, v0  }
0x90: {  	v18 =	vadd.f32 v20, v18;
	v17 =	vld [tilespmem:s17+$0xFFFFF820];
	v1 =	vadd.f32 v1, v10;
	v10 =	vmul.f32 v24, v0  }
0x91: {  	v16 =	vadd.f32 v12, v13;
	v20 =	vadd.f32 v11, v14;
	v24 =	vld [tilespmem:s17+$0x20];
	v0 =	vmov v25  }
0x92: {  	v18 =	vadd.f32 v15, v18;
	v11 =	vld [tilespmem:s17+$0x820];
	v13 =	vadd.f32 v10, v1  }
0x93: {  	v1 =	vld [tilespmem:s18+$0x0]  }
0x94: {  	v15 =	vld [tilespmem:s17+$0xFFFFE010]  }
0x95: {  	v25 =	vld [tilespmem:s17+$0xFFFFE810]  }
0x96: {  	v27 =	vld [tilespmem:s17+$0xFFFFF010]  }
0x97: {  	v28 =	vld [tilespmem:s17+$0xFFFFF810]  }
0x98: {  	v30 =	vld [tilespmem:s17+$0x10]  }
0x99: {  	v31 =	vld [tilespmem:s17+$0x810]  }
0x9a: {  	v10 =	vld [tilespmem:s18+$0xFFFFFFF0]  }
0x9b: {  	v32 =	vld [tilespmem:s17+$0xFFFFE000]  }
0x9c: {  	v34 =	vld [tilespmem:s17+$0xFFFFE800]  }
0x9d: {  	v14 =	vld [tilespmem:s18+$0xFFFFFFE0]  }
0x9e: {  	s20 =	sand.u32 $0x7C0, s19;
	v22 =	vmul.f32 v22, v0;
	v23 =	vmul.f32 v26, v0;
	v36 =	vld [tilespmem:s17+$0xFFFFDFF0]  }
0x9f: {  	v21 =	vmul.f32 v21, v0;
	v19 =	vmul.f32 v17, v0;
	v38 =	vld [tilespmem:s20+$0x5000]  }
0xa0: {  	v12 =	vmul.f32 v24, v0;
	v11 =	vmul.f32 v11, v0;
	v39 =	vld [tilespmem:s20+$0x5800]  }
0xa1: {  	v26 =	vmul.f32 v15, v1;
	v24 =	vmul.f32 v25, v1;
	v41 =	vld [tilespmem:s20+$0x6000]  }
0xa2: {  	v27 =	vmul.f32 v27, v1;
	v25 =	vmul.f32 v28, v1;
	v42 =	vld [tilespmem:s17+$0xFFFFF000]  }
0xa3: {  	v17 =	vmul.f32 v30, v1;
	v15 =	vmul.f32 v31, v1;
	v43 =	vld [tilespmem:s17+$0xFFFFF800]  }
.Ltmp1:
0xa4: {  	v33 =	vmul.f32 v32, v10;
	v34 =	vmul.f32 v34, v10;
	v32 =	vld [tilespmem:s17+$0x0];
	(pc) =	sbr.rel @p0 .LBB2_4-.Ltmp1, $4  }
0xa5: {  	v31 =	vmul.f32 v36, v14;
	v38 =	vmul.f32 v38, v14;
	v28 =	vld [tilespmem:s17+$0x800]  }
0xa6: {  	v39 =	vmul.f32 v39, v14;
	v41 =	vmul.f32 v41, v14;
	v30 =	vld [tilespmem:s20+$0x6800]  }
0xa7: {  	v36 =	vadd.f32 v31, v35;
	v37 =	vadd.f32 v38, v37;
	v35 =	vmul.f32 v42, v10;
	v31 =	vld [tilespmem:s20+$0x7000]  }
0xa8: {  	s19 =	sadd.s32 $0x40, s19;
	v39 =	vadd.f32 v39, v29;
	v38 =	vadd.f32 v41, v40;
	v40 =	vmul.f32 v43, v10;
	v29 =	vld [tilespmem:s20+$0x7800]  }
0xa9: {  	v33 =	vadd.f32 v33, v36  }
0xaa: {  	v34 =	vadd.f32 v34, v37;
	(xrf2) =	vadd.scan.msk.f32 $0xffff, v7;
	v35 =	vadd.f32 v35, v39  }
0xab: {  	v51 =	vmul.f32 v32, v10;
	v53 =	vld [tilespmem:s17+$0x1000];
	v52 =	vadd.f32 v40, v38;
	(xrf2) =	vadd.scan.msk.f32 $0xffff, v5;
	v26 =	vadd.f32 v26, v33  }
0xac: {  	v54 =	vld [tilespmem:s20+$0x8000];
	v24 =	vadd.f32 v24, v34;
	v30 =	vmul.f32 v30, v14;
	(xrf2) =	vadd.scan.msk.f32 $0xffff, v4;
	v27 =	vadd.f32 v27, v35  }
0xad: {  	v57 =	vld [tilespmem:s17+$0x1010];
	v55 =	vadd.f32 v25, v52;
	v56 =	vmul.f32 v31, v14;
	(xrf2) =	vadd.scan.msk.f32 $0xffff, v3;
	v22 =	vadd.f32 v22, v26  }
0xae: {  	v58 =	vld [tilespmem:s17+$0x1800];
	v23 =	vadd.f32 v23, v24;
	v59 =	vmul.f32 v29, v14;
	v16 =	vadd.f32 v30, v16;
	(xrf2) =	vadd.scan.msk.f32 $0xffff, v9  }
0xaf: {  	v61 =	vld [tilespmem:s17+$0x1020];
	v60 =	vmul.f32 v28, v10;
	v21 =	vadd.f32 v21, v27;
	v20 =	vadd.f32 v56, v20;
	(xrf2) =	vadd.scan.msk.f32 $0xffff, v8  }
0xb0: {  	v62 =	vld [tilespmem:s17+$0x1810];
	v63 =	vmul.f32 v53, v10;
	v18 =	vadd.f32 v59, v18;
	v7 =	vadd.f32 v51, v16;
	(xrf2) =	vadd.scan.msk.f32 $0xffff, v6  }
0xb1: {  	v4 =	vadd.f32 v19, v55;
	v5 =	vmul.f32 v54, v14;
	v20 =	vadd.f32 v60, v20;
	(xrf2) =	vadd.scan.msk.f32 $0xffff, v2  }
0xb2: {  	v24 =	vld [tilespmem:s17+$0x1820];
	v27 =	vmul.f32 v57, v1;
	v28 =	vadd.f32 v63, v18;
	v7 =	vadd.f32 v17, v7;
	(xrf2) =	vadd.scan.msk.f32 $0xffff, v22  }
0xb3: {  	v3 =	vmul.f32 v58, v10;
	v5 =	vadd.f32 v5, v13;
	v6 =	vadd.f32 v15, v20;
	(xrf2) =	vadd.scan.msk.f32 $0xffff, v23  }
0xb4: {  	v29 =	vmul.f32 v61, v0;
	v9 =	vadd.f32 v27, v28;
	v7 =	vadd.f32 v12, v7;
	v30, _, _ =	vpop (xrf2);
	(xrf2) =	vadd.scan.msk.f32 $0xffff, v21  }
0xb5: {  	v31 =	vmul.f32 v62, v1;
	v3 =	vadd.f32 v3, v5;
	v32 =	vadd.f32 v11, v6;
	v33, _, _ =	vpop (xrf2);
	(xrf2) =	vadd.scan.msk.f32 $0xffff, v4  }
0xb6: {  	v35 =	vbroadcast v30, $0xF;
	v34 =	vadd.f32 v29, v9;
	v6 =	vbroadcast v33, $0xF;
	v36, _, _ =	vpop (xrf2);
	(xrf2) =	vadd.scan.msk.f32 $0xffff, v7  }
0xb7: {  	v37 =	vmul.f32 v24, v0;
	v1 =	vadd.f32 v31, v3;
	v38 =	vbroadcast v36, $0xF;
	v39, _, _ =	vpop (xrf2);
	(xrf2) =	vadd.scan.msk.f32 $0xffff, v32  }
0xb8: {  	v40 =	vsel vm0, v35, v6;
	v3 =	vbroadcast v39, $0xF;
	v41, _, _ =	vpop (xrf2);
	(xrf2) =	vadd.scan.msk.f32 $0xffff, v34  }
0xb9: {  	v0 =	vadd.f32 v37, v1;
	v42, _, _ =	vpop (xrf2);
	v43 =	vsel vm1, v40, v38;
	v44 =	vbroadcast v41, $0xF  }
0xba: {  	v45, _, _ =	vpop (xrf2);
	v1 =	vsel vm2, v43, v3;
	v46 =	vbroadcast v42, $0xF  }
0xbb: {  	(xrf2) =	vadd.scan.msk.f32 $0xffff, v0;
	v1 =	vsel vm3, v1, v44;
	v47 =	vbroadcast v45, $0xF;
	v48, _, _ =	vpop (xrf2)  }
0xbc: {  	v49, _, _ =	vpop (xrf2);
	v1 =	vsel vm4, v1, v46;
	v50 =	vbroadcast v48, $0xF  }
0xbd: {  	v51, _, _ =	vpop (xrf2);
	v1 =	vsel vm5, v1, v47;
	v0 =	vbroadcast v49, $0xF  }
0xbe: {  	v52, _, _ =	vpop (xrf2);
	v1 =	vsel vm6, v1, v50;
	v53 =	vbroadcast v51, $0xF  }
0xbf: {  	v54, _, _ =	vpop (xrf2);
	v0 =	vsel vm7, v1, v0;
	v55 =	vbroadcast v52, $0xF  }
0xc0: {  	v56, _, _ =	vpop (xrf2);
	v0 =	vsel vm8, v0, v53;
	v57 =	vbroadcast v54, $0xF  }
0xc1: {  	v58, _, _ =	vpop (xrf2);
	v0 =	vsel vm9, v0, v55;
	v59 =	vbroadcast v56, $0xF  }
0xc2: {  	v60, _, _ =	vpop (xrf2);
	v0 =	vsel vm10, v0, v57;
	v61 =	vbroadcast v58, $0xF  }
0xc3: {  	v0 =	vsel vm11, v0, v59;
	v62 =	vbroadcast v60, $0xF  }
0xc4: {  	v0 =	vsel vm12, v0, v61  }
0xc5: {  	s16 =	sadd.s32 $0x1, s16;
	v63, _, _ =	vpop (xrf2);
	v0 =	vsel vm13, v0, v62  }
0xc6: {  	p0 =	sne.s32 s16, s8;
	v0 =	vsel vm14, v0, v63  }
.Ltmp2:
0xc7: {  	[tilespmem:$0x8800] =	vst v0;
	(pc) =	sbr.rel @p0 .LBB2_1-.Ltmp2, $4  }
0xc8: {  	[hbm4b:s7+s2] =	stream.linear.scatter [tilespmem:s15], [sflag:$0x3], $0x10, $0x38;
	[tilespmem:$0x8880] =	vst v63  }
0xc9: {  	_ =	swait.ge [sflag:s13], $0x10  }
0xca: {  	[sflag:s13] =	ssyncset.done $0x0  }
0xcb: {  	[sflag:s13] =	ssyncadd.s32 $0xFFFFFFF0  }
0xcc: {  	_ =	sfence.sel $0x180000  }
0xcd: {  	[bflag:$0x0] =	sbarrier.arrive $0xFFFF  }
0xce: {  	p0 =	sne.s32 s0, $0x0;
	_ =	strace $0x90000047  }
0xcf: {  	s0 =	sadd.s32 @!p0 $0x100000, s1;
	[bflag:$0x2] =	sbarrier.arrive $0xFFFF  }
0xd0: {  	[sflag:s0] =	ssyncadd.tile.s32 @!p0 $0x1;
	_ =	shalt  }
.Lfunc_end2:
_tile_overlayer_lowered:
.L_overlay_start_2:
0xd1: {  	(tag) =	ssettag $0x2  }
0xd2: {  	s0 =	rddreg [dreg:$0x0];
	s2 =	stileid.u32  }
0xd3: {  	s1 =	rddreg [dreg:$0x1];
	p0 =	sne.s32 s2, $0x0  }
0xd4: {  	s3 =	rddreg [dreg:$0x2];
	[bflag:$0x3] =	sbarrier.arrive $0xFFFF;
	s2 =	simm.s32 @!p0 $0x1C03  }
0xd5: {  	[timem:s3], [sflag:s2] =	dma.local @!p0 [hbm:s0], s1  }
0xd6: {  	s0 =	simm.s32 @!p0 $0x3  }
0xd7: {  	_ =	swait.ge @!p0 [sflag:s0], s1  }
0xd8: {  	s1 =	ssub.s32 @!p0 $0x0, s1;
	[sflag:s0] =	ssyncset.done @!p0 $0x0  }
0xd9: {  	[sflag:s0] =	ssyncadd.s32 @!p0 s1  }
0xda: {  	[bflag:$0x3] =	sbarrier.arrive $0xFFFF  }
0xdb: {  	_ =	shalt  }

</sc_bundles>
